<compile_context>
chip_gen: v7x
topology: tpu7x:2x2x1
jax: 0.10.2.dev20260603
libtpu: 0.0.44.dev20260713+nightly
codegen_flags: <defaults>
</compile_context>

<pallas_src>
import dataclasses
import functools

import jax
import jax.numpy as jnp
from jax import lax
from jax.experimental import pallas as pl
from jax.experimental.pallas import tpu as pltpu
from jax.experimental.pallas import tpu_sc as plsc

N = 10000
E = 320000
D = 128
DH = 64
NC = 2
NS = 16
NW = NC * NS
STREAM = 128
RPS = 158
EP = NS * RPS * STREAM
ACC_N = 10112
STRIPE = ACC_N // NS
TRASH = N
BLK = 2000
FP = jax.lax.Precision.DEFAULT


def _sc_agg(xh, packed):
    mesh = plsc.VectorSubcoreMesh(core_axis_name="c", subcore_axis_name="s")
    cp = pltpu.CompilerParams(use_tc_tiling_on_sc=False)
    if "needs_layout_passes" in pltpu.CompilerParams.__dataclass_fields__:
        cp = dataclasses.replace(cp, needs_layout_passes=False)

    @functools.partial(
        pl.kernel,
        mesh=mesh,
        compiler_params=cp,
        out_type=jax.ShapeDtypeStruct((NC, ACC_N, DH), jnp.float32),
        scratch_types=[
            pltpu.VMEM((RPS, STREAM), jnp.int32),
            pltpu.VMEM((RPS, STREAM), jnp.int32),
            pltpu.VMEM((RPS, STREAM), jnp.int32),
            pltpu.VMEM((STREAM, DH), jnp.float32),
            pltpu.VMEM((STREAM, DH), jnp.float32),
            pltpu.VMEM((STRIPE // 4, DH), jnp.float32),
            pltpu.VMEM_SHARED((ACC_N, DH), jnp.float32),
            pltpu.SemaphoreType.DMA,
            pltpu.SemaphoreType.DMA,
            pltpu.SemaphoreType.DMA,
            pltpu.SemaphoreType.DMA,
        ],
    )
    def k(xh_hbm, pk_hbm, p_out, pbuf, sidx, didx, rows_a, rows_b,
          zbuf, acc, sem_a, sem_b, sem_sa, sem_sb):
        c = lax.axis_index("c")
        s = lax.axis_index("s")

        pltpu.sync_copy(pk_hbm.at[s], pbuf)

        @pl.loop(0, RPS)
        def _(j):
            @pl.loop(0, STREAM, step=16)
            def _(kk):
                v = pbuf[j, pl.ds(kk, 16)]
                sidx[j, pl.ds(kk, 16)] = lax.bitwise_and(v, 16383)
                didx[j, pl.ds(kk, 16)] = lax.shift_right_logical(v, 14)

        @pl.loop(0, STRIPE // 4)
        def _(r):
            @pl.loop(0, DH, step=16)
            def _(jj):
                zbuf[r, pl.ds(jj, 16)] = jnp.zeros((16,), jnp.float32)

        for kk in range(4):
            pltpu.sync_copy(
                zbuf, acc.at[pl.ds(s * STRIPE + kk * (STRIPE // 4), STRIPE // 4)])

        plsc.subcore_barrier()

        def gather(j, buf, sem):
            return pltpu.make_async_copy(xh_hbm.at[c].at[sidx.at[j]], buf, sem)

        def scatter(j, buf, sem):
            return pltpu.make_async_copy(buf, acc.at[didx.at[j]], sem)

        gather(0, rows_a, sem_a).start()
        gather(1, rows_b, sem_b).start()

        @pl.loop(0, RPS, step=2)
        def _(j):
            gather(j, rows_a, sem_a).wait()
            scatter(j, rows_a, sem_sa).start(add=True)
            gather(j + 1, rows_b, sem_b).wait()
            scatter(j + 1, rows_b, sem_sb).start(add=True)
            scatter(j, rows_a, sem_sa).wait()

            @pl.when(j + 2 < RPS)
            def _():
                gather(j + 2, rows_a, sem_a).start()

            scatter(j + 1, rows_b, sem_sb).wait()

            @pl.when(j + 3 < RPS)
            def _():
                gather(j + 3, rows_b, sem_b).start()

        plsc.subcore_barrier()

        pltpu.sync_copy(
            acc.at[pl.ds(s * STRIPE, STRIPE)],
            p_out.at[c].at[pl.ds(s * STRIPE, STRIPE)],
        )

    return k(xh, packed)


def _sc_deg(packed):
    mesh = plsc.VectorSubcoreMesh(core_axis_name="c", subcore_axis_name="s")
    cp = pltpu.CompilerParams(use_tc_tiling_on_sc=False)
    if "needs_layout_passes" in pltpu.CompilerParams.__dataclass_fields__:
        cp = dataclasses.replace(cp, needs_layout_passes=False)
    half = RPS // 2

    @functools.partial(
        pl.kernel,
        mesh=mesh,
        compiler_params=cp,
        out_type=jax.ShapeDtypeStruct((NW, ACC_N), jnp.float32),
        scratch_types=[
            pltpu.VMEM((half, STREAM), jnp.int32),
            pltpu.VMEM((ACC_N,), jnp.float32),
        ],
    )
    def k(pk_hbm, deg_out, pbuf, degv):
        c = lax.axis_index("c")
        s = lax.axis_index("s")
        w = c * NS + s

        pltpu.sync_copy(pk_hbm.at[s].at[pl.ds(c * half, half)], pbuf)

        @pl.loop(0, ACC_N, step=16)
        def _(i):
            degv[pl.ds(i, 16)] = jnp.zeros((16,), jnp.float32)

        ones16 = jnp.ones((16,), jnp.float32)

        @pl.loop(0, half)
        def _(j):
            @pl.loop(0, STREAM, step=16)
            def _(kk):
                d16 = lax.shift_right_logical(pbuf[j, pl.ds(kk, 16)], 14)
                plsc.addupdate_scatter(degv, [d16], ones16)

        pltpu.sync_copy(degv, deg_out.at[w])

    return k(packed)


def _mm_body(x_ref, w_ref, b_ref, out_ref):
    out_ref[...] = jnp.dot(x_ref[...], w_ref[...], precision=FP) + b_ref[...]


def _mm_call(x, w, b):
    return pl.pallas_call(
        _mm_body,
        grid=(N // BLK,),
        in_specs=[
            pl.BlockSpec((BLK, D), lambda i: (i, 0)),
            pl.BlockSpec((D, D), lambda i: (0, 0)),
            pl.BlockSpec((1, D), lambda i: (0, 0)),
        ],
        out_specs=pl.BlockSpec((BLK, D), lambda i: (i, 0)),
        out_shape=jax.ShapeDtypeStruct((N, D), jnp.float32),
    )(x, w, b)


def _mm_split_body(h0_ref, h1_ref, w_ref, b_ref, out_ref):
    out_ref[...] = (
        jnp.dot(h0_ref[0], w_ref[:DH], precision=FP)
        + jnp.dot(h1_ref[0], w_ref[DH:], precision=FP)
        + b_ref[...]
    )


def _mm_split_call(hs, w, b):
    return pl.pallas_call(
        _mm_split_body,
        grid=(N // BLK,),
        in_specs=[
            pl.BlockSpec((1, BLK, DH), lambda i: (0, i, 0)),
            pl.BlockSpec((1, BLK, DH), lambda i: (1, i, 0)),
            pl.BlockSpec((D, D), lambda i: (0, 0)),
            pl.BlockSpec((1, D), lambda i: (0, 0)),
        ],
        out_specs=pl.BlockSpec((BLK, D), lambda i: (i, 0)),
        out_shape=jax.ShapeDtypeStruct((N, D), jnp.float32),
    )(hs, hs, w, b)


def _layer_body(p0_ref, p1_ref, dg_ref, xr_ref, wl_ref, out_ref):
    accf = jnp.concatenate([p0_ref[0], p1_ref[0]], axis=1)
    deg = jnp.maximum(jnp.sum(dg_ref[...], axis=1, keepdims=True), 1.0)
    agg = accf / deg
    h = jnp.maximum(jnp.dot(agg, wl_ref[...], precision=FP) + xr_ref[...], 0.0)
    out_ref[0] = h[:, :DH]
    out_ref[1] = h[:, DH:]


def _final_body(p0_ref, p1_ref, dg_ref, xr_ref, wl_ref, wo_ref, bo_ref,
                out_ref):
    accf = jnp.concatenate([p0_ref[0], p1_ref[0]], axis=1)
    deg = jnp.maximum(jnp.sum(dg_ref[...], axis=1, keepdims=True), 1.0)
    agg = accf / deg
    h = jnp.maximum(jnp.dot(agg, wl_ref[...], precision=FP) + xr_ref[...], 0.0)
    wod = wo_ref[1:2, :] - wo_ref[0:1, :]
    ld = jnp.sum(h * wod, axis=1, keepdims=True)
    ld = ld + (bo_ref[1] - bo_ref[0])
    out_ref[...] = 1.0 / (1.0 + jnp.exp(-ld))


def _layer_call(p, degT, xr, wl):
    return pl.pallas_call(
        _layer_body,
        grid=(N // BLK,),
        in_specs=[
            pl.BlockSpec((1, BLK, DH), lambda i: (0, i, 0)),
            pl.BlockSpec((1, BLK, DH), lambda i: (1, i, 0)),
            pl.BlockSpec((BLK, NW), lambda i: (i, 0)),
            pl.BlockSpec((BLK, D), lambda i: (i, 0)),
            pl.BlockSpec((D, D), lambda i: (0, 0)),
        ],
        out_specs=pl.BlockSpec((NC, BLK, DH), lambda i: (0, i, 0)),
        out_shape=jax.ShapeDtypeStruct((NC, N, DH), jnp.float32),
    )(p, p, degT, xr, wl)


def _final_call(p, degT, xr, wl, woT, bo2):
    return pl.pallas_call(
        _final_body,
        grid=(N // BLK,),
        in_specs=[
            pl.BlockSpec((1, BLK, DH), lambda i: (0, i, 0)),
            pl.BlockSpec((1, BLK, DH), lambda i: (1, i, 0)),
            pl.BlockSpec((BLK, NW), lambda i: (i, 0)),
            pl.BlockSpec((BLK, D), lambda i: (i, 0)),
            pl.BlockSpec((D, D), lambda i: (0, 0)),
            pl.BlockSpec((2, D), lambda i: (0, 0)),
            pl.BlockSpec(memory_space=pltpu.SMEM),
        ],
        out_specs=pl.BlockSpec((BLK, 1), lambda i: (i, 0)),
        out_shape=jax.ShapeDtypeStruct((N, 1), jnp.float32),
    )(p, p, degT, xr, wl, woT, bo2)


def _split_cols(x):
    return jnp.stack([x[:, :DH], x[:, DH:]])


def kernel(x, edge_index, W1l, b1l, W1r, W2l, b2l, W2r, Wo, bo):
    ei = edge_index.astype(jnp.int32)
    npad = EP - E
    src_p = jnp.concatenate([ei[0], jnp.zeros((npad,), jnp.int32)])
    dst_p = jnp.concatenate([ei[1], jnp.full((npad,), TRASH, jnp.int32)])
    packed = ((dst_p << 14) | src_p).reshape(NS, RPS, STREAM)

    b1 = b1l.reshape(1, D)
    b2 = b2l.reshape(1, D)
    woT = Wo.T
    bo2 = bo

    p1 = _sc_agg(_split_cols(x), packed)
    degs = _sc_deg(packed)
    xr1 = _mm_call(x, W1r, b1)
    degT = degs.T
    h1s = _layer_call(p1, degT, xr1, W1l)
    p2 = _sc_agg(h1s, packed)
    xr2 = _mm_split_call(h1s, W2r, b2)
    out = _final_call(p2, degT, xr2, W2l, woT, bo2)
    return out.reshape(N)

# --- scband reference (transcript-rebuilt; emitter-appended) ---
"""Pipeline reference for scband-fraud-graph-sage-37761352466444 (READ-ONLY COPY).

The authoritative reference and input builder live on the scoring server;
editing this copy changes nothing except your own understanding.
"""

import jax, jax.numpy as jnp
import numpy as np

N_NODES = 10000
N_EDGES = 320000
IN_DIM = 128
HIDDEN = 128
CLASSES = 2


def _sage_conv(x, edge_index, Wl, bl, Wr):
    # PyG-style SAGEConv with mean aggregation:
    # out = lin_l(mean_{j in N(i)} x_j) + lin_r(x_i)
    src = edge_index[0]
    dst = edge_index[1]
    n = x.shape[0]
    msgs = x[src]  # gather source node features per edge
    agg = jax.ops.segment_sum(msgs, dst, num_segments=n)
    deg = jax.ops.segment_sum(jnp.ones((src.shape[0],), x.dtype), dst, num_segments=n)
    agg = agg / jnp.maximum(deg, 1.0)[:, None]
    return agg @ Wl + bl + x @ Wr


def setup_inputs(seed: int = 0) -> dict:
    key = jax.random.key(seed)
    ks = jax.random.split(key, 10)
    x = jax.random.normal(ks[0], (N_NODES, IN_DIM), dtype=jnp.float32)
    edge_index = jax.random.randint(ks[1], (2, N_EDGES), 0, N_NODES, dtype=jnp.int64)
    s1 = 1.0 / np.sqrt(IN_DIM)
    s2 = 1.0 / np.sqrt(HIDDEN)
    W1l = jax.random.normal(ks[2], (IN_DIM, HIDDEN), dtype=jnp.float32) * s1
    b1l = jnp.zeros((HIDDEN,), dtype=jnp.float32)
    W1r = jax.random.normal(ks[3], (IN_DIM, HIDDEN), dtype=jnp.float32) * s1
    W2l = jax.random.normal(ks[4], (HIDDEN, HIDDEN), dtype=jnp.float32) * s2
    b2l = jnp.zeros((HIDDEN,), dtype=jnp.float32)
    W2r = jax.random.normal(ks[5], (HIDDEN, HIDDEN), dtype=jnp.float32) * s2
    Wo = jax.random.normal(ks[6], (HIDDEN, CLASSES), dtype=jnp.float32) * s2
    bo = jnp.zeros((CLASSES,), dtype=jnp.float32)
    return {"x": x, "edge_index": edge_index, "W1l": W1l, "b1l": b1l, "W1r": W1r,
            "W2l": W2l, "b2l": b2l, "W2r": W2r, "Wo": Wo, "bo": bo}


def reference(x, edge_index, W1l, b1l, W1r, W2l, b2l, W2r, Wo, bo):
    h = jax.nn.relu(_sage_conv(x, edge_index, W1l, b1l, W1r))
    h = jax.nn.relu(_sage_conv(h, edge_index, W2l, b2l, W2r))
    logits = h @ Wo + bo
    probs = jax.nn.softmax(logits, axis=-1)
    return probs[:, 1]

if __name__ == "__main__":
    import jax
    _d = setup_inputs()
    print(jax.jit(kernel)(*tuple(_d.values())))

</pallas_src>

<mosaic_0001>
#map = affine_map<(d0, d1) -> (0, 0, 0)>
#map1 = affine_map<(d0, d1) -> (0, 0)>
module attributes {stable_mosaic.version = 14 : i64} {
  func.func @k(%arg0: i32, %arg1: i32, %arg2: memref<16x158x128xi32, #tpu.memory_space<hbm>>, %arg3: memref<32x10112xf32, #tpu.memory_space<hbm>>, %arg4: memref<79x128xi32, #tpu.memory_space<vmem>>, %arg5: memref<10112xf32, #tpu.memory_space<vmem>>) attributes {dimension_semantics = [#tpu.dimension_semantics<core_parallel>, #tpu.dimension_semantics<subcore_parallel>], iteration_bounds = array<i64: 2, 16>, scalar_prefetch = 0 : i64, scratch_operands = 2 : i64, tpu.core_type = #tpu.core_type<sc_vector_subcore>, window_params = [{transform_indices = #map}, {transform_indices = #map1}]} {
    %mul3A = arith.constant 16 : i32
    %mul3A_0 = arith.muli %arg0, %mul3A : i32
    %add3A = arith.addi %mul3A_0, %arg1 : i32
    %mul3A_1 = arith.constant 79 : i32
    %mul3A_2 = arith.muli %arg0, %mul3A_1 : i32
    "tpu.region"() ({
      %run_scoped3A = tpu.sem_alloc : memref<!tpu.dma_semaphore, #tpu.memory_space<semaphore_mem>>
      %dma_start3A = arith.constant 0 : i32
      %dma_start3A_13 = arith.constant 0 : i32
      %dma_start3A_14 = tpu.memref_slice %arg2[%arg1, %dma_start3A, %dma_start3A_13] : memref<16x158x128xi32, #tpu.memory_space<hbm>> -> memref<1x158x128xi32, #tpu.memory_space<hbm>>
      %dma_start3A_15 = tpu.memref_squeeze %dma_start3A_14 : memref<1x158x128xi32, #tpu.memory_space<hbm>> -> memref<158x128xi32, #tpu.memory_space<hbm>>
      %dma_start3A_16 = arith.constant 0 : i32
      %dma_start3A_17 = tpu.memref_slice %dma_start3A_15[%mul3A_2, %dma_start3A_16] : memref<158x128xi32, #tpu.memory_space<hbm>> -> memref<79x128xi32, #tpu.memory_space<hbm>>
      %dma_start3A_18 = arith.constant 0 : i32
      %dma_start3A_19 = arith.constant 0 : i32
      %dma_start3A_20 = tpu.memref_slice %arg2[%arg1, %dma_start3A_18, %dma_start3A_19] : memref<16x158x128xi32, #tpu.memory_space<hbm>> -> memref<1x158x128xi32, #tpu.memory_space<hbm>>
      %dma_start3A_21 = tpu.memref_squeeze %dma_start3A_20 : memref<1x158x128xi32, #tpu.memory_space<hbm>> -> memref<158x128xi32, #tpu.memory_space<hbm>>
      %dma_start3A_22 = arith.constant 0 : i32
      %dma_start3A_23 = tpu.memref_slice %dma_start3A_21[%mul3A_2, %dma_start3A_22] : memref<158x128xi32, #tpu.memory_space<hbm>> -> memref<79x128xi32, #tpu.memory_space<hbm>>
      tpu.enqueue_dma source(%dma_start3A_23 : memref<79x128xi32, #tpu.memory_space<hbm>>) target(%arg4 : memref<79x128xi32, #tpu.memory_space<vmem>>) target_semaphore(%run_scoped3A : memref<!tpu.dma_semaphore, #tpu.memory_space<semaphore_mem>>)
      %dma_wait3A = arith.constant 0 : i32
      %dma_wait3A_24 = arith.constant 0 : i32
      %dma_wait3A_25 = tpu.memref_slice %arg2[%arg1, %dma_wait3A, %dma_wait3A_24] : memref<16x158x128xi32, #tpu.memory_space<hbm>> -> memref<1x158x128xi32, #tpu.memory_space<hbm>>
      %dma_wait3A_26 = tpu.memref_squeeze %dma_wait3A_25 : memref<1x158x128xi32, #tpu.memory_space<hbm>> -> memref<158x128xi32, #tpu.memory_space<hbm>>
      %dma_wait3A_27 = arith.constant 0 : i32
      %dma_wait3A_28 = tpu.memref_slice %dma_wait3A_26[%mul3A_2, %dma_wait3A_27] : memref<158x128xi32, #tpu.memory_space<hbm>> -> memref<79x128xi32, #tpu.memory_space<hbm>>
      %dma_wait3A_29 = arith.constant 0 : i32
      %dma_wait3A_30 = arith.constant 0 : i32
      %dma_wait3A_31 = tpu.memref_slice %arg2[%arg1, %dma_wait3A_29, %dma_wait3A_30] : memref<16x158x128xi32, #tpu.memory_space<hbm>> -> memref<1x158x128xi32, #tpu.memory_space<hbm>>
      %dma_wait3A_32 = tpu.memref_squeeze %dma_wait3A_31 : memref<1x158x128xi32, #tpu.memory_space<hbm>> -> memref<158x128xi32, #tpu.memory_space<hbm>>
      %dma_wait3A_33 = arith.constant 0 : i32
      %dma_wait3A_34 = tpu.memref_slice %dma_wait3A_32[%mul3A_2, %dma_wait3A_33] : memref<158x128xi32, #tpu.memory_space<hbm>> -> memref<79x128xi32, #tpu.memory_space<hbm>>
      tpu.wait_dma2 semaphore(%run_scoped3A : memref<!tpu.dma_semaphore, #tpu.memory_space<semaphore_mem>>) src(%dma_wait3A_34 : memref<79x128xi32, #tpu.memory_space<hbm>>) dst(%arg4 : memref<79x128xi32, #tpu.memory_space<vmem>>)
      tpu.yield
    }) : () -> ()
    %scan3A = arith.constant 0 : i32
    %scan3A_3 = arith.constant 632 : i32
    %scan3A_4 = arith.addi %scan3A, %scan3A_3 : i32
    %scan3A_5 = arith.constant 1 : i32
    scf.for %scan3A_13 = %scan3A to %scan3A_4 step %scan3A_5  : i32 {
      %mul3A_14 = arith.constant 16 : i32
      %mul3A_15 = arith.muli %scan3A_13, %mul3A_14 : i32
      %add3A_16 = arith.constant 0 : i32
      %add3A_17 = arith.addi %add3A_16, %mul3A_15 : i32
      %broadcast_in_dim3A_18 = arith.constant 0.000000e+00 : f32
      %broadcast_in_dim3A_19 = vector.broadcast %broadcast_in_dim3A_18 : f32 to vector<16xf32>
      %swap3A = arith.index_cast %add3A_17 : i32 to index
      %swap3A_20 = tpu.vector_load %arg5[%swap3A] {strides = array<i32>} : memref<10112xf32, #tpu.memory_space<vmem>>, vector<16xf32>,
      tpu.vector_store %arg5[%swap3A], %broadcast_in_dim3A_19 {strides = array<i32>} : memref<10112xf32, #tpu.memory_space<vmem>>, vector<16xf32>,
    }
    %scan3A_6 = arith.constant 632 : i32
    %broadcast_in_dim3A = arith.constant 1.000000e+00 : f32
    %broadcast_in_dim3A_7 = vector.broadcast %broadcast_in_dim3A : f32 to vector<16xf32>
    %scan3A_8 = arith.constant 0 : i32
    %scan3A_9 = arith.constant 79 : i32
    %scan3A_10 = arith.addi %scan3A_8, %scan3A_9 : i32
    %scan3A_11 = arith.constant 1 : i32
    scf.for %scan3A_13 = %scan3A_8 to %scan3A_10 step %scan3A_11  : i32 {
      %mul3A_14 = arith.constant 1 : i32
      %mul3A_15 = arith.muli %scan3A_13, %mul3A_14 : i32
      %add3A_16 = arith.constant 0 : i32
      %add3A_17 = arith.addi %add3A_16, %mul3A_15 : i32
      %scan3A_18 = arith.constant 0 : i32
      %scan3A_19 = arith.constant 8 : i32
      %scan3A_20 = arith.addi %scan3A_18, %scan3A_19 : i32
      %scan3A_21 = arith.constant 1 : i32
      scf.for %scan3A_23 = %scan3A_18 to %scan3A_20 step %scan3A_21  : i32 {
        %mul3A_24 = arith.constant 16 : i32
        %mul3A_25 = arith.muli %scan3A_23, %mul3A_24 : i32
        %add3A_26 = arith.constant 0 : i32
        %add3A_27 = arith.addi %add3A_26, %mul3A_25 : i32
        %get3A = arith.index_cast %add3A_17 : i32 to index
        %get3A_28 = arith.index_cast %add3A_27 : i32 to index
        %get3A_29 = tpu.vector_load %arg4[%get3A, %get3A_28] {strides = array<i32>} : memref<79x128xi32, #tpu.memory_space<vmem>>, vector<16xi32>,
        %shift_right_logical3A = arith.constant 14 : i32
        %shift_right_logical3A_30 = vector.broadcast %shift_right_logical3A : i32 to vector<16xi32>
        %shift_right_logical3A_31 = arith.shrui %get3A_29, %shift_right_logical3A_30 : vector<16xi32>
        tpu.vector_store_idx %arg5[%shift_right_logical3A_31], %broadcast_in_dim3A_7 {add = true} : memref<10112xf32, #tpu.memory_space<vmem>>[vector<16xi32>], vector<16xf32>,
      }
      %scan3A_22 = arith.constant 8 : i32
    }
    %scan3A_12 = arith.constant 79 : i32
    "tpu.region"() ({
      %run_scoped3A = tpu.sem_alloc : memref<!tpu.dma_semaphore, #tpu.memory_space<semaphore_mem>>
      %dma_start3A = arith.constant 0 : i32
      %dma_start3A_13 = tpu.memref_slice %arg3[%add3A, %dma_start3A] : memref<32x10112xf32, #tpu.memory_space<hbm>> -> memref<1x10112xf32, #tpu.memory_space<hbm>>
      %dma_start3A_14 = tpu.memref_squeeze %dma_start3A_13 : memref<1x10112xf32, #tpu.memory_space<hbm>> -> memref<10112xf32, #tpu.memory_space<hbm>>
      %dma_start3A_15 = arith.constant 0 : i32
      %dma_start3A_16 = tpu.memref_slice %arg3[%add3A, %dma_start3A_15] : memref<32x10112xf32, #tpu.memory_space<hbm>> -> memref<1x10112xf32, #tpu.memory_space<hbm>>
      %dma_start3A_17 = tpu.memref_squeeze %dma_start3A_16 : memref<1x10112xf32, #tpu.memory_space<hbm>> -> memref<10112xf32, #tpu.memory_space<hbm>>
      tpu.enqueue_dma source(%arg5 : memref<10112xf32, #tpu.memory_space<vmem>>) target(%dma_start3A_17 : memref<10112xf32, #tpu.memory_space<hbm>>) target_semaphore(%run_scoped3A : memref<!tpu.dma_semaphore, #tpu.memory_space<semaphore_mem>>)
      %dma_wait3A = arith.constant 0 : i32
      %dma_wait3A_18 = tpu.memref_slice %arg3[%add3A, %dma_wait3A] : memref<32x10112xf32, #tpu.memory_space<hbm>> -> memref<1x10112xf32, #tpu.memory_space<hbm>>
      %dma_wait3A_19 = tpu.memref_squeeze %dma_wait3A_18 : memref<1x10112xf32, #tpu.memory_space<hbm>> -> memref<10112xf32, #tpu.memory_space<hbm>>
      %dma_wait3A_20 = arith.constant 0 : i32
      %dma_wait3A_21 = tpu.memref_slice %arg3[%add3A, %dma_wait3A_20] : memref<32x10112xf32, #tpu.memory_space<hbm>> -> memref<1x10112xf32, #tpu.memory_space<hbm>>
      %dma_wait3A_22 = tpu.memref_squeeze %dma_wait3A_21 : memref<1x10112xf32, #tpu.memory_space<hbm>> -> memref<10112xf32, #tpu.memory_space<hbm>>
      tpu.wait_dma2 semaphore(%run_scoped3A : memref<!tpu.dma_semaphore, #tpu.memory_space<semaphore_mem>>) src(%arg5 : memref<10112xf32, #tpu.memory_space<vmem>>) dst(%dma_wait3A_22 : memref<10112xf32, #tpu.memory_space<hbm>>)
      tpu.yield
    }) : () -> ()
    return
  }
}

#map = affine_map<(d0, d1) -> (0, 0, 0)>
module attributes {stable_mosaic.version = 14 : i64} {
  func.func @k(%arg0: i32, %arg1: i32, %arg2: memref<2x10000x64xf32, #tpu.memory_space<hbm>>, %arg3: memref<16x158x128xi32, #tpu.memory_space<hbm>>, %arg4: memref<2x10112x64xf32, #tpu.memory_space<hbm>>, %arg5: memref<158x128xi32, #tpu.memory_space<vmem>>, %arg6: memref<158x128xi32, #tpu.memory_space<vmem>>, %arg7: memref<158x128xi32, #tpu.memory_space<vmem>>, %arg8: memref<128x64xf32, #tpu.memory_space<vmem>>, %arg9: memref<128x64xf32, #tpu.memory_space<vmem>>, %arg10: memref<158x64xf32, #tpu.memory_space<vmem>>, %arg11: memref<10112x64xf32, #tpu.memory_space<vmem_shared>>, %arg12: memref<!tpu.dma_semaphore, #tpu.memory_space<semaphore_mem>>, %arg13: memref<!tpu.dma_semaphore, #tpu.memory_space<semaphore_mem>>, %arg14: memref<!tpu.dma_semaphore, #tpu.memory_space<semaphore_mem>>, %arg15: memref<!tpu.dma_semaphore, #tpu.memory_space<semaphore_mem>>) attributes {dimension_semantics = [#tpu.dimension_semantics<core_parallel>, #tpu.dimension_semantics<subcore_parallel>], iteration_bounds = array<i64: 2, 16>, scalar_prefetch = 0 : i64, scratch_operands = 11 : i64, tpu.core_type = #tpu.core_type<sc_vector_subcore>, window_params = [{transform_indices = #map}, {transform_indices = #map}, {transform_indices = #map}]} {
    "tpu.region"() ({
      %run_scoped3A = tpu.sem_alloc : memref<!tpu.dma_semaphore, #tpu.memory_space<semaphore_mem>>
      %dma_start3A_54 = arith.constant 0 : i32
      %dma_start3A_55 = arith.constant 0 : i32
      %dma_start3A_56 = tpu.memref_slice %arg3[%arg1, %dma_start3A_54, %dma_start3A_55] : memref<16x158x128xi32, #tpu.memory_space<hbm>> -> memref<1x158x128xi32, #tpu.memory_space<hbm>>
      %dma_start3A_57 = tpu.memref_squeeze %dma_start3A_56 : memref<1x158x128xi32, #tpu.memory_space<hbm>> -> memref<158x128xi32, #tpu.memory_space<hbm>>
      %dma_start3A_58 = arith.constant 0 : i32
      %dma_start3A_59 = arith.constant 0 : i32
      %dma_start3A_60 = tpu.memref_slice %arg3[%arg1, %dma_start3A_58, %dma_start3A_59] : memref<16x158x128xi32, #tpu.memory_space<hbm>> -> memref<1x158x128xi32, #tpu.memory_space<hbm>>
      %dma_start3A_61 = tpu.memref_squeeze %dma_start3A_60 : memref<1x158x128xi32, #tpu.memory_space<hbm>> -> memref<158x128xi32, #tpu.memory_space<hbm>>
      tpu.enqueue_dma source(%dma_start3A_61 : memref<158x128xi32, #tpu.memory_space<hbm>>) target(%arg5 : memref<158x128xi32, #tpu.memory_space<vmem>>) target_semaphore(%run_scoped3A : memref<!tpu.dma_semaphore, #tpu.memory_space<semaphore_mem>>)
      %dma_wait3A = arith.constant 0 : i32
      %dma_wait3A_62 = arith.constant 0 : i32
      %dma_wait3A_63 = tpu.memref_slice %arg3[%arg1, %dma_wait3A, %dma_wait3A_62] : memref<16x158x128xi32, #tpu.memory_space<hbm>> -> memref<1x158x128xi32, #tpu.memory_space<hbm>>
      %dma_wait3A_64 = tpu.memref_squeeze %dma_wait3A_63 : memref<1x158x128xi32, #tpu.memory_space<hbm>> -> memref<158x128xi32, #tpu.memory_space<hbm>>
      %dma_wait3A_65 = arith.constant 0 : i32
      %dma_wait3A_66 = arith.constant 0 : i32
      %dma_wait3A_67 = tpu.memref_slice %arg3[%arg1, %dma_wait3A_65, %dma_wait3A_66] : memref<16x158x128xi32, #tpu.memory_space<hbm>> -> memref<1x158x128xi32, #tpu.memory_space<hbm>>
      %dma_wait3A_68 = tpu.memref_squeeze %dma_wait3A_67 : memref<1x158x128xi32, #tpu.memory_space<hbm>> -> memref<158x128xi32, #tpu.memory_space<hbm>>
      tpu.wait_dma2 semaphore(%run_scoped3A : memref<!tpu.dma_semaphore, #tpu.memory_space<semaphore_mem>>) src(%dma_wait3A_68 : memref<158x128xi32, #tpu.memory_space<hbm>>) dst(%arg5 : memref<158x128xi32, #tpu.memory_space<vmem>>)
      tpu.yield
    }) : () -> ()
    %scan3A = arith.constant 0 : i32
    %scan3A_0 = arith.constant 158 : i32
    %scan3A_1 = arith.addi %scan3A, %scan3A_0 : i32
    %scan3A_2 = arith.constant 1 : i32
    scf.for %scan3A_54 = %scan3A to %scan3A_1 step %scan3A_2  : i32 {
      %mul3A_55 = arith.constant 1 : i32
      %mul3A_56 = arith.muli %scan3A_54, %mul3A_55 : i32
      %add3A_57 = arith.constant 0 : i32
      %add3A_58 = arith.addi %add3A_57, %mul3A_56 : i32
      %scan3A_59 = arith.constant 0 : i32
      %scan3A_60 = arith.constant 8 : i32
      %scan3A_61 = arith.addi %scan3A_59, %scan3A_60 : i32
      %scan3A_62 = arith.constant 1 : i32
      scf.for %scan3A_64 = %scan3A_59 to %scan3A_61 step %scan3A_62  : i32 {
        %mul3A_65 = arith.constant 16 : i32
        %mul3A_66 = arith.muli %scan3A_64, %mul3A_65 : i32
        %add3A_67 = arith.constant 0 : i32
        %add3A_68 = arith.addi %add3A_67, %mul3A_66 : i32
        %get3A = arith.index_cast %add3A_58 : i32 to index
        %get3A_69 = arith.index_cast %add3A_68 : i32 to index
        %get3A_70 = tpu.vector_load %arg5[%get3A, %get3A_69] {strides = array<i32>} : memref<158x128xi32, #tpu.memory_space<vmem>>, vector<16xi32>,
        %and3A = arith.constant 16383 : i32
        %and3A_71 = vector.broadcast %and3A : i32 to vector<16xi32>
        %and3A_72 = arith.andi %get3A_70, %and3A_71 : vector<16xi32>
        %swap3A = arith.index_cast %add3A_58 : i32 to index
        %swap3A_73 = arith.index_cast %add3A_68 : i32 to index
        %swap3A_74 = tpu.vector_load %arg6[%swap3A, %swap3A_73] {strides = array<i32>} : memref<158x128xi32, #tpu.memory_space<vmem>>, vector<16xi32>,
        tpu.vector_store %arg6[%swap3A, %swap3A_73], %and3A_72 {strides = array<i32>} : memref<158x128xi32, #tpu.memory_space<vmem>>, vector<16xi32>,
        %shift_right_logical3A = arith.constant 14 : i32
        %shift_right_logical3A_75 = vector.broadcast %shift_right_logical3A : i32 to vector<16xi32>
        %shift_right_logical3A_76 = arith.shrui %get3A_70, %shift_right_logical3A_75 : vector<16xi32>
        %swap3A_77 = arith.index_cast %add3A_58 : i32 to index
        %swap3A_78 = arith.index_cast %add3A_68 : i32 to index
        %swap3A_79 = tpu.vector_load %arg7[%swap3A_77, %swap3A_78] {strides = array<i32>} : memref<158x128xi32, #tpu.memory_space<vmem>>, vector<16xi32>,
        tpu.vector_store %arg7[%swap3A_77, %swap3A_78], %shift_right_logical3A_76 {strides = array<i32>} : memref<158x128xi32, #tpu.memory_space<vmem>>, vector<16xi32>,
      }
      %scan3A_63 = arith.constant 8 : i32
    }
    %scan3A_3 = arith.constant 158 : i32
    %scan3A_4 = arith.constant 0 : i32
    %scan3A_5 = arith.constant 158 : i32
    %scan3A_6 = arith.addi %scan3A_4, %scan3A_5 : i32
    %scan3A_7 = arith.constant 1 : i32
    scf.for %scan3A_54 = %scan3A_4 to %scan3A_6 step %scan3A_7  : i32 {
      %mul3A_55 = arith.constant 1 : i32
      %mul3A_56 = arith.muli %scan3A_54, %mul3A_55 : i32
      %add3A_57 = arith.constant 0 : i32
      %add3A_58 = arith.addi %add3A_57, %mul3A_56 : i32
      %scan3A_59 = arith.constant 0 : i32
      %scan3A_60 = arith.constant 4 : i32
      %scan3A_61 = arith.addi %scan3A_59, %scan3A_60 : i32
      %scan3A_62 = arith.constant 1 : i32
      scf.for %scan3A_64 = %scan3A_59 to %scan3A_61 step %scan3A_62  : i32 {
        %mul3A_65 = arith.constant 16 : i32
        %mul3A_66 = arith.muli %scan3A_64, %mul3A_65 : i32
        %add3A_67 = arith.constant 0 : i32
        %add3A_68 = arith.addi %add3A_67, %mul3A_66 : i32
        %broadcast_in_dim3A = arith.constant 0.000000e+00 : f32
        %broadcast_in_dim3A_69 = vector.broadcast %broadcast_in_dim3A : f32 to vector<16xf32>
        %swap3A = arith.index_cast %add3A_58 : i32 to index
        %swap3A_70 = arith.index_cast %add3A_68 : i32 to index
        %swap3A_71 = tpu.vector_load %arg10[%swap3A, %swap3A_70] {strides = array<i32>} : memref<158x64xf32, #tpu.memory_space<vmem>>, vector<16xf32>,
        tpu.vector_store %arg10[%swap3A, %swap3A_70], %broadcast_in_dim3A_69 {strides = array<i32>} : memref<158x64xf32, #tpu.memory_space<vmem>>, vector<16xf32>,
      }
      %scan3A_63 = arith.constant 4 : i32
    }
    %scan3A_8 = arith.constant 158 : i32
    %mul3A = arith.constant 632 : i32
    %mul3A_9 = arith.muli %arg1, %mul3A : i32
    %add3A = arith.constant 0 : i32
    %add3A_10 = arith.addi %mul3A_9, %add3A : i32
    "tpu.region"() ({
      %run_scoped3A = tpu.sem_alloc : memref<!tpu.dma_semaphore, #tpu.memory_space<semaphore_mem>>
      %dma_start3A_54 = arith.constant 0 : i32
      %dma_start3A_55 = tpu.memref_slice %arg11[%add3A_10, %dma_start3A_54] : memref<10112x64xf32, #tpu.memory_space<vmem_shared>> -> memref<158x64xf32, #tpu.memory_space<vmem_shared>>
      %dma_start3A_56 = arith.constant 0 : i32
      %dma_start3A_57 = tpu.memref_slice %arg11[%add3A_10, %dma_start3A_56] : memref<10112x64xf32, #tpu.memory_space<vmem_shared>> -> memref<158x64xf32, #tpu.memory_space<vmem_shared>>
      tpu.enqueue_dma source(%arg10 : memref<158x64xf32, #tpu.memory_space<vmem>>) target(%dma_start3A_57 : memref<158x64xf32, #tpu.memory_space<vmem_shared>>) target_semaphore(%run_scoped3A : memref<!tpu.dma_semaphore, #tpu.memory_space<semaphore_mem>>)
      %dma_wait3A = arith.constant 0 : i32
      %dma_wait3A_58 = tpu.memref_slice %arg11[%add3A_10, %dma_wait3A] : memref<10112x64xf32, #tpu.memory_space<vmem_shared>> -> memref<158x64xf32, #tpu.memory_space<vmem_shared>>
      %dma_wait3A_59 = arith.constant 0 : i32
      %dma_wait3A_60 = tpu.memref_slice %arg11[%add3A_10, %dma_wait3A_59] : memref<10112x64xf32, #tpu.memory_space<vmem_shared>> -> memref<158x64xf32, #tpu.memory_space<vmem_shared>>
      tpu.wait_dma2 semaphore(%run_scoped3A : memref<!tpu.dma_semaphore, #tpu.memory_space<semaphore_mem>>) src(%arg10 : memref<158x64xf32, #tpu.memory_space<vmem>>) dst(%dma_wait3A_60 : memref<158x64xf32, #tpu.memory_space<vmem_shared>>)
      tpu.yield
    }) : () -> ()
    %mul3A_11 = arith.constant 632 : i32
    %mul3A_12 = arith.muli %arg1, %mul3A_11 : i32
    %add3A_13 = arith.constant 158 : i32
    %add3A_14 = arith.addi %mul3A_12, %add3A_13 : i32
    "tpu.region"() ({
      %run_scoped3A = tpu.sem_alloc : memref<!tpu.dma_semaphore, #tpu.memory_space<semaphore_mem>>
      %dma_start3A_54 = arith.constant 0 : i32
      %dma_start3A_55 = tpu.memref_slice %arg11[%add3A_14, %dma_start3A_54] : memref<10112x64xf32, #tpu.memory_space<vmem_shared>> -> memref<158x64xf32, #tpu.memory_space<vmem_shared>>
      %dma_start3A_56 = arith.constant 0 : i32
      %dma_start3A_57 = tpu.memref_slice %arg11[%add3A_14, %dma_start3A_56] : memref<10112x64xf32, #tpu.memory_space<vmem_shared>> -> memref<158x64xf32, #tpu.memory_space<vmem_shared>>
      tpu.enqueue_dma source(%arg10 : memref<158x64xf32, #tpu.memory_space<vmem>>) target(%dma_start3A_57 : memref<158x64xf32, #tpu.memory_space<vmem_shared>>) target_semaphore(%run_scoped3A : memref<!tpu.dma_semaphore, #tpu.memory_space<semaphore_mem>>)
      %dma_wait3A = arith.constant 0 : i32
      %dma_wait3A_58 = tpu.memref_slice %arg11[%add3A_14, %dma_wait3A] : memref<10112x64xf32, #tpu.memory_space<vmem_shared>> -> memref<158x64xf32, #tpu.memory_space<vmem_shared>>
      %dma_wait3A_59 = arith.constant 0 : i32
      %dma_wait3A_60 = tpu.memref_slice %arg11[%add3A_14, %dma_wait3A_59] : memref<10112x64xf32, #tpu.memory_space<vmem_shared>> -> memref<158x64xf32, #tpu.memory_space<vmem_shared>>
      tpu.wait_dma2 semaphore(%run_scoped3A : memref<!tpu.dma_semaphore, #tpu.memory_space<semaphore_mem>>) src(%arg10 : memref<158x64xf32, #tpu.memory_space<vmem>>) dst(%dma_wait3A_60 : memref<158x64xf32, #tpu.memory_space<vmem_shared>>)
      tpu.yield
    }) : () -> ()
    %mul3A_15 = arith.constant 632 : i32
    %mul3A_16 = arith.muli %arg1, %mul3A_15 : i32
    %add3A_17 = arith.constant 316 : i32
    %add3A_18 = arith.addi %mul3A_16, %add3A_17 : i32
    "tpu.region"() ({
      %run_scoped3A = tpu.sem_alloc : memref<!tpu.dma_semaphore, #tpu.memory_space<semaphore_mem>>
      %dma_start3A_54 = arith.constant 0 : i32
      %dma_start3A_55 = tpu.memref_slice %arg11[%add3A_18, %dma_start3A_54] : memref<10112x64xf32, #tpu.memory_space<vmem_shared>> -> memref<158x64xf32, #tpu.memory_space<vmem_shared>>
      %dma_start3A_56 = arith.constant 0 : i32
      %dma_start3A_57 = tpu.memref_slice %arg11[%add3A_18, %dma_start3A_56] : memref<10112x64xf32, #tpu.memory_space<vmem_shared>> -> memref<158x64xf32, #tpu.memory_space<vmem_shared>>
      tpu.enqueue_dma source(%arg10 : memref<158x64xf32, #tpu.memory_space<vmem>>) target(%dma_start3A_57 : memref<158x64xf32, #tpu.memory_space<vmem_shared>>) target_semaphore(%run_scoped3A : memref<!tpu.dma_semaphore, #tpu.memory_space<semaphore_mem>>)
      %dma_wait3A = arith.constant 0 : i32
      %dma_wait3A_58 = tpu.memref_slice %arg11[%add3A_18, %dma_wait3A] : memref<10112x64xf32, #tpu.memory_space<vmem_shared>> -> memref<158x64xf32, #tpu.memory_space<vmem_shared>>
      %dma_wait3A_59 = arith.constant 0 : i32
      %dma_wait3A_60 = tpu.memref_slice %arg11[%add3A_18, %dma_wait3A_59] : memref<10112x64xf32, #tpu.memory_space<vmem_shared>> -> memref<158x64xf32, #tpu.memory_space<vmem_shared>>
      tpu.wait_dma2 semaphore(%run_scoped3A : memref<!tpu.dma_semaphore, #tpu.memory_space<semaphore_mem>>) src(%arg10 : memref<158x64xf32, #tpu.memory_space<vmem>>) dst(%dma_wait3A_60 : memref<158x64xf32, #tpu.memory_space<vmem_shared>>)
      tpu.yield
    }) : () -> ()
    %mul3A_19 = arith.constant 632 : i32
    %mul3A_20 = arith.muli %arg1, %mul3A_19 : i32
    %add3A_21 = arith.constant 474 : i32
    %add3A_22 = arith.addi %mul3A_20, %add3A_21 : i32
    "tpu.region"() ({
      %run_scoped3A = tpu.sem_alloc : memref<!tpu.dma_semaphore, #tpu.memory_space<semaphore_mem>>
      %dma_start3A_54 = arith.constant 0 : i32
      %dma_start3A_55 = tpu.memref_slice %arg11[%add3A_22, %dma_start3A_54] : memref<10112x64xf32, #tpu.memory_space<vmem_shared>> -> memref<158x64xf32, #tpu.memory_space<vmem_shared>>
      %dma_start3A_56 = arith.constant 0 : i32
      %dma_start3A_57 = tpu.memref_slice %arg11[%add3A_22, %dma_start3A_56] : memref<10112x64xf32, #tpu.memory_space<vmem_shared>> -> memref<158x64xf32, #tpu.memory_space<vmem_shared>>
      tpu.enqueue_dma source(%arg10 : memref<158x64xf32, #tpu.memory_space<vmem>>) target(%dma_start3A_57 : memref<158x64xf32, #tpu.memory_space<vmem_shared>>) target_semaphore(%run_scoped3A : memref<!tpu.dma_semaphore, #tpu.memory_space<semaphore_mem>>)
      %dma_wait3A = arith.constant 0 : i32
      %dma_wait3A_58 = tpu.memref_slice %arg11[%add3A_22, %dma_wait3A] : memref<10112x64xf32, #tpu.memory_space<vmem_shared>> -> memref<158x64xf32, #tpu.memory_space<vmem_shared>>
      %dma_wait3A_59 = arith.constant 0 : i32
      %dma_wait3A_60 = tpu.memref_slice %arg11[%add3A_22, %dma_wait3A_59] : memref<10112x64xf32, #tpu.memory_space<vmem_shared>> -> memref<158x64xf32, #tpu.memory_space<vmem_shared>>
      tpu.wait_dma2 semaphore(%run_scoped3A : memref<!tpu.dma_semaphore, #tpu.memory_space<semaphore_mem>>) src(%arg10 : memref<158x64xf32, #tpu.memory_space<vmem>>) dst(%dma_wait3A_60 : memref<158x64xf32, #tpu.memory_space<vmem_shared>>)
      tpu.yield
    }) : () -> ()
    %barrier3A = arith.constant 0 : index
    tpu.barrier barrier_id(%barrier3A)
    %dma_start3A = arith.constant 0 : i32
    %dma_start3A_23 = arith.constant 0 : i32
    %dma_start3A_24 = tpu.memref_slice %arg6[%dma_start3A, %dma_start3A_23] : memref<158x128xi32, #tpu.memory_space<vmem>> -> memref<1x128xi32, #tpu.memory_space<vmem>>
    %dma_start3A_25 = tpu.memref_squeeze %dma_start3A_24 : memref<1x128xi32, #tpu.memory_space<vmem>> -> memref<128xi32, #tpu.memory_space<vmem>>
    %dma_start3A_26 = arith.constant 0 : i32
    %dma_start3A_27 = arith.constant 0 : i32
    %dma_start3A_28 = tpu.memref_slice %arg2[%arg0, %dma_start3A_26, %dma_start3A_27] : memref<2x10000x64xf32, #tpu.memory_space<hbm>> -> memref<1x10000x64xf32, #tpu.memory_space<hbm>>
    %dma_start3A_29 = tpu.memref_squeeze %dma_start3A_28 : memref<1x10000x64xf32, #tpu.memory_space<hbm>> -> memref<10000x64xf32, #tpu.memory_space<hbm>>
    %dma_start3A_30 = arith.constant 0 : i32
    %dma_start3A_31 = arith.constant 0 : i32
    %dma_start3A_32 = tpu.memref_slice %dma_start3A_29[%dma_start3A_30, %dma_start3A_31] : memref<10000x64xf32, #tpu.memory_space<hbm>> -> memref<10000x64xf32, #tpu.memory_space<hbm>>
    tpu.enqueue_indirect_dma source(%dma_start3A_32 : memref<10000x64xf32, #tpu.memory_space<hbm>>) target(%arg8 : memref<128x64xf32, #tpu.memory_space<vmem>>) offsets(%dma_start3A_25 : memref<128xi32, #tpu.memory_space<vmem>>) semaphore(%arg12 : memref<!tpu.dma_semaphore, #tpu.memory_space<semaphore_mem>>)
    %dma_start3A_33 = arith.constant 1 : i32
    %dma_start3A_34 = arith.constant 0 : i32
    %dma_start3A_35 = tpu.memref_slice %arg6[%dma_start3A_33, %dma_start3A_34] : memref<158x128xi32, #tpu.memory_space<vmem>> -> memref<1x128xi32, #tpu.memory_space<vmem>>
    %dma_start3A_36 = tpu.memref_squeeze %dma_start3A_35 : memref<1x128xi32, #tpu.memory_space<vmem>> -> memref<128xi32, #tpu.memory_space<vmem>>
    %dma_start3A_37 = arith.constant 0 : i32
    %dma_start3A_38 = arith.constant 0 : i32
    %dma_start3A_39 = tpu.memref_slice %arg2[%arg0, %dma_start3A_37, %dma_start3A_38] : memref<2x10000x64xf32, #tpu.memory_space<hbm>> -> memref<1x10000x64xf32, #tpu.memory_space<hbm>>
    %dma_start3A_40 = tpu.memref_squeeze %dma_start3A_39 : memref<1x10000x64xf32, #tpu.memory_space<hbm>> -> memref<10000x64xf32, #tpu.memory_space<hbm>>
    %dma_start3A_41 = arith.constant 0 : i32
    %dma_start3A_42 = arith.constant 0 : i32
    %dma_start3A_43 = tpu.memref_slice %dma_start3A_40[%dma_start3A_41, %dma_start3A_42] : memref<10000x64xf32, #tpu.memory_space<hbm>> -> memref<10000x64xf32, #tpu.memory_space<hbm>>
    tpu.enqueue_indirect_dma source(%dma_start3A_43 : memref<10000x64xf32, #tpu.memory_space<hbm>>) target(%arg9 : memref<128x64xf32, #tpu.memory_space<vmem>>) offsets(%dma_start3A_36 : memref<128xi32, #tpu.memory_space<vmem>>) semaphore(%arg13 : memref<!tpu.dma_semaphore, #tpu.memory_space<semaphore_mem>>)
    %scan3A_44 = arith.constant 0 : i32
    %scan3A_45 = arith.constant 79 : i32
    %scan3A_46 = arith.addi %scan3A_44, %scan3A_45 : i32
    %scan3A_47 = arith.constant 1 : i32
    scf.for %scan3A_54 = %scan3A_44 to %scan3A_46 step %scan3A_47  : i32 {
      %mul3A_55 = arith.constant 2 : i32
      %mul3A_56 = arith.muli %scan3A_54, %mul3A_55 : i32
      %add3A_57 = arith.constant 0 : i32
      %add3A_58 = arith.addi %add3A_57, %mul3A_56 : i32
      %dma_wait3A = arith.constant 0 : i32
      %dma_wait3A_59 = tpu.memref_slice %arg6[%add3A_58, %dma_wait3A] : memref<158x128xi32, #tpu.memory_space<vmem>> -> memref<1x128xi32, #tpu.memory_space<vmem>>
      %dma_wait3A_60 = tpu.memref_squeeze %dma_wait3A_59 : memref<1x128xi32, #tpu.memory_space<vmem>> -> memref<128xi32, #tpu.memory_space<vmem>>
      %dma_wait3A_61 = arith.constant 0 : i32
      %dma_wait3A_62 = arith.constant 0 : i32
      %dma_wait3A_63 = tpu.memref_slice %arg2[%arg0, %dma_wait3A_61, %dma_wait3A_62] : memref<2x10000x64xf32, #tpu.memory_space<hbm>> -> memref<1x10000x64xf32, #tpu.memory_space<hbm>>
      %dma_wait3A_64 = tpu.memref_squeeze %dma_wait3A_63 : memref<1x10000x64xf32, #tpu.memory_space<hbm>> -> memref<10000x64xf32, #tpu.memory_space<hbm>>
      %dma_wait3A_65 = arith.constant 0 : i32
      %dma_wait3A_66 = arith.constant 0 : i32
      %dma_wait3A_67 = tpu.memref_slice %dma_wait3A_64[%dma_wait3A_65, %dma_wait3A_66] : memref<10000x64xf32, #tpu.memory_space<hbm>> -> memref<10000x64xf32, #tpu.memory_space<hbm>>
      tpu.wait_indirect_dma semaphore(%arg12 : memref<!tpu.dma_semaphore, #tpu.memory_space<semaphore_mem>>) src(%dma_wait3A_67 : memref<10000x64xf32, #tpu.memory_space<hbm>>) dst(%arg8 : memref<128x64xf32, #tpu.memory_space<vmem>>)
      %dma_start3A_68 = arith.constant 0 : i32
      %dma_start3A_69 = tpu.memref_slice %arg7[%add3A_58, %dma_start3A_68] : memref<158x128xi32, #tpu.memory_space<vmem>> -> memref<1x128xi32, #tpu.memory_space<vmem>>
      %dma_start3A_70 = tpu.memref_squeeze %dma_start3A_69 : memref<1x128xi32, #tpu.memory_space<vmem>> -> memref<128xi32, #tpu.memory_space<vmem>>
      %dma_start3A_71 = arith.constant 0 : i32
      %dma_start3A_72 = arith.constant 0 : i32
      %dma_start3A_73 = tpu.memref_slice %arg11[%dma_start3A_71, %dma_start3A_72] : memref<10112x64xf32, #tpu.memory_space<vmem_shared>> -> memref<10112x64xf32, #tpu.memory_space<vmem_shared>>
      tpu.enqueue_indirect_dma source(%arg8 : memref<128x64xf32, #tpu.memory_space<vmem>>) target(%dma_start3A_73 : memref<10112x64xf32, #tpu.memory_space<vmem_shared>>) offsets(%dma_start3A_70 : memref<128xi32, #tpu.memory_space<vmem>>) semaphore(%arg14 : memref<!tpu.dma_semaphore, #tpu.memory_space<semaphore_mem>>) {add = true}
      %add3A_74 = arith.constant 1 : i32
      %add3A_75 = arith.addi %add3A_58, %add3A_74 : i32
      %dma_wait3A_76 = arith.constant 0 : i32
      %dma_wait3A_77 = tpu.memref_slice %arg6[%add3A_75, %dma_wait3A_76] : memref<158x128xi32, #tpu.memory_space<vmem>> -> memref<1x128xi32, #tpu.memory_space<vmem>>
      %dma_wait3A_78 = tpu.memref_squeeze %dma_wait3A_77 : memref<1x128xi32, #tpu.memory_space<vmem>> -> memref<128xi32, #tpu.memory_space<vmem>>
      %dma_wait3A_79 = arith.constant 0 : i32
      %dma_wait3A_80 = arith.constant 0 : i32
      %dma_wait3A_81 = tpu.memref_slice %arg2[%arg0, %dma_wait3A_79, %dma_wait3A_80] : memref<2x10000x64xf32, #tpu.memory_space<hbm>> -> memref<1x10000x64xf32, #tpu.memory_space<hbm>>
      %dma_wait3A_82 = tpu.memref_squeeze %dma_wait3A_81 : memref<1x10000x64xf32, #tpu.memory_space<hbm>> -> memref<10000x64xf32, #tpu.memory_space<hbm>>
      %dma_wait3A_83 = arith.constant 0 : i32
      %dma_wait3A_84 = arith.constant 0 : i32
      %dma_wait3A_85 = tpu.memref_slice %dma_wait3A_82[%dma_wait3A_83, %dma_wait3A_84] : memref<10000x64xf32, #tpu.memory_space<hbm>> -> memref<10000x64xf32, #tpu.memory_space<hbm>>
      tpu.wait_indirect_dma semaphore(%arg13 : memref<!tpu.dma_semaphore, #tpu.memory_space<semaphore_mem>>) src(%dma_wait3A_85 : memref<10000x64xf32, #tpu.memory_space<hbm>>) dst(%arg9 : memref<128x64xf32, #tpu.memory_space<vmem>>)
      %add3A_86 = arith.constant 1 : i32
      %add3A_87 = arith.addi %add3A_58, %add3A_86 : i32
      %dma_start3A_88 = arith.constant 0 : i32
      %dma_start3A_89 = tpu.memref_slice %arg7[%add3A_87, %dma_start3A_88] : memref<158x128xi32, #tpu.memory_space<vmem>> -> memref<1x128xi32, #tpu.memory_space<vmem>>
      %dma_start3A_90 = tpu.memref_squeeze %dma_start3A_89 : memref<1x128xi32, #tpu.memory_space<vmem>> -> memref<128xi32, #tpu.memory_space<vmem>>
      %dma_start3A_91 = arith.constant 0 : i32
      %dma_start3A_92 = arith.constant 0 : i32
      %dma_start3A_93 = tpu.memref_slice %arg11[%dma_start3A_91, %dma_start3A_92] : memref<10112x64xf32, #tpu.memory_space<vmem_shared>> -> memref<10112x64xf32, #tpu.memory_space<vmem_shared>>
      tpu.enqueue_indirect_dma source(%arg9 : memref<128x64xf32, #tpu.memory_space<vmem>>) target(%dma_start3A_93 : memref<10112x64xf32, #tpu.memory_space<vmem_shared>>) offsets(%dma_start3A_90 : memref<128xi32, #tpu.memory_space<vmem>>) semaphore(%arg15 : memref<!tpu.dma_semaphore, #tpu.memory_space<semaphore_mem>>) {add = true}
      %dma_wait3A_94 = arith.constant 0 : i32
      %dma_wait3A_95 = tpu.memref_slice %arg7[%add3A_58, %dma_wait3A_94] : memref<158x128xi32, #tpu.memory_space<vmem>> -> memref<1x128xi32, #tpu.memory_space<vmem>>
      %dma_wait3A_96 = tpu.memref_squeeze %dma_wait3A_95 : memref<1x128xi32, #tpu.memory_space<vmem>> -> memref<128xi32, #tpu.memory_space<vmem>>
      %dma_wait3A_97 = arith.constant 0 : i32
      %dma_wait3A_98 = arith.constant 0 : i32
      %dma_wait3A_99 = tpu.memref_slice %arg11[%dma_wait3A_97, %dma_wait3A_98] : memref<10112x64xf32, #tpu.memory_space<vmem_shared>> -> memref<10112x64xf32, #tpu.memory_space<vmem_shared>>
      tpu.wait_indirect_dma semaphore(%arg14 : memref<!tpu.dma_semaphore, #tpu.memory_space<semaphore_mem>>) src(%arg8 : memref<128x64xf32, #tpu.memory_space<vmem>>) dst(%dma_wait3A_99 : memref<10112x64xf32, #tpu.memory_space<vmem_shared>>)
      %add3A_100 = arith.constant 2 : i32
      %add3A_101 = arith.addi %add3A_58, %add3A_100 : i32
      %lt3A = arith.constant 158 : i32
      %lt3A_102 = arith.cmpi slt, %add3A_101, %lt3A : i32
      %convert_element_type3A = arith.extui %lt3A_102 : i1 to i32
      %cond3A = arith.constant 0 : i32
      %cond3A_103 = arith.cmpi ne, %convert_element_type3A, %cond3A : i32
      scf.if %cond3A_103 {
        %add3A_119 = arith.constant 2 : i32
        %add3A_120 = arith.addi %add3A_58, %add3A_119 : i32
        %dma_start3A_121 = arith.constant 0 : i32
        %dma_start3A_122 = tpu.memref_slice %arg6[%add3A_120, %dma_start3A_121] : memref<158x128xi32, #tpu.memory_space<vmem>> -> memref<1x128xi32, #tpu.memory_space<vmem>>
        %dma_start3A_123 = tpu.memref_squeeze %dma_start3A_122 : memref<1x128xi32, #tpu.memory_space<vmem>> -> memref<128xi32, #tpu.memory_space<vmem>>
        %dma_start3A_124 = arith.constant 0 : i32
        %dma_start3A_125 = arith.constant 0 : i32
        %dma_start3A_126 = tpu.memref_slice %arg2[%arg0, %dma_start3A_124, %dma_start3A_125] : memref<2x10000x64xf32, #tpu.memory_space<hbm>> -> memref<1x10000x64xf32, #tpu.memory_space<hbm>>
        %dma_start3A_127 = tpu.memref_squeeze %dma_start3A_126 : memref<1x10000x64xf32, #tpu.memory_space<hbm>> -> memref<10000x64xf32, #tpu.memory_space<hbm>>
        %dma_start3A_128 = arith.constant 0 : i32
        %dma_start3A_129 = arith.constant 0 : i32
        %dma_start3A_130 = tpu.memref_slice %dma_start3A_127[%dma_start3A_128, %dma_start3A_129] : memref<10000x64xf32, #tpu.memory_space<hbm>> -> memref<10000x64xf32, #tpu.memory_space<hbm>>
        tpu.enqueue_indirect_dma source(%dma_start3A_130 : memref<10000x64xf32, #tpu.memory_space<hbm>>) target(%arg8 : memref<128x64xf32, #tpu.memory_space<vmem>>) offsets(%dma_start3A_123 : memref<128xi32, #tpu.memory_space<vmem>>) semaphore(%arg12 : memref<!tpu.dma_semaphore, #tpu.memory_space<semaphore_mem>>)
      } else {
      }
      %add3A_104 = arith.constant 1 : i32
      %add3A_105 = arith.addi %add3A_58, %add3A_104 : i32
      %dma_wait3A_106 = arith.constant 0 : i32
      %dma_wait3A_107 = tpu.memref_slice %arg7[%add3A_105, %dma_wait3A_106] : memref<158x128xi32, #tpu.memory_space<vmem>> -> memref<1x128xi32, #tpu.memory_space<vmem>>
      %dma_wait3A_108 = tpu.memref_squeeze %dma_wait3A_107 : memref<1x128xi32, #tpu.memory_space<vmem>> -> memref<128xi32, #tpu.memory_space<vmem>>
      %dma_wait3A_109 = arith.constant 0 : i32
      %dma_wait3A_110 = arith.constant 0 : i32
      %dma_wait3A_111 = tpu.memref_slice %arg11[%dma_wait3A_109, %dma_wait3A_110] : memref<10112x64xf32, #tpu.memory_space<vmem_shared>> -> memref<10112x64xf32, #tpu.memory_space<vmem_shared>>
      tpu.wait_indirect_dma semaphore(%arg15 : memref<!tpu.dma_semaphore, #tpu.memory_space<semaphore_mem>>) src(%arg9 : memref<128x64xf32, #tpu.memory_space<vmem>>) dst(%dma_wait3A_111 : memref<10112x64xf32, #tpu.memory_space<vmem_shared>>)
      %add3A_112 = arith.constant 3 : i32
      %add3A_113 = arith.addi %add3A_58, %add3A_112 : i32
      %lt3A_114 = arith.constant 158 : i32
      %lt3A_115 = arith.cmpi slt, %add3A_113, %lt3A_114 : i32
      %convert_element_type3A_116 = arith.extui %lt3A_115 : i1 to i32
      %cond3A_117 = arith.constant 0 : i32
      %cond3A_118 = arith.cmpi ne, %convert_element_type3A_116, %cond3A_117 : i32
      scf.if %cond3A_118 {
        %add3A_119 = arith.constant 3 : i32
        %add3A_120 = arith.addi %add3A_58, %add3A_119 : i32
        %dma_start3A_121 = arith.constant 0 : i32
        %dma_start3A_122 = tpu.memref_slice %arg6[%add3A_120, %dma_start3A_121] : memref<158x128xi32, #tpu.memory_space<vmem>> -> memref<1x128xi32, #tpu.memory_space<vmem>>
        %dma_start3A_123 = tpu.memref_squeeze %dma_start3A_122 : memref<1x128xi32, #tpu.memory_space<vmem>> -> memref<128xi32, #tpu.memory_space<vmem>>
        %dma_start3A_124 = arith.constant 0 : i32
        %dma_start3A_125 = arith.constant 0 : i32
        %dma_start3A_126 = tpu.memref_slice %arg2[%arg0, %dma_start3A_124, %dma_start3A_125] : memref<2x10000x64xf32, #tpu.memory_space<hbm>> -> memref<1x10000x64xf32, #tpu.memory_space<hbm>>
        %dma_start3A_127 = tpu.memref_squeeze %dma_start3A_126 : memref<1x10000x64xf32, #tpu.memory_space<hbm>> -> memref<10000x64xf32, #tpu.memory_space<hbm>>
        %dma_start3A_128 = arith.constant 0 : i32
        %dma_start3A_129 = arith.constant 0 : i32
        %dma_start3A_130 = tpu.memref_slice %dma_start3A_127[%dma_start3A_128, %dma_start3A_129] : memref<10000x64xf32, #tpu.memory_space<hbm>> -> memref<10000x64xf32, #tpu.memory_space<hbm>>
        tpu.enqueue_indirect_dma source(%dma_start3A_130 : memref<10000x64xf32, #tpu.memory_space<hbm>>) target(%arg9 : memref<128x64xf32, #tpu.memory_space<vmem>>) offsets(%dma_start3A_123 : memref<128xi32, #tpu.memory_space<vmem>>) semaphore(%arg13 : memref<!tpu.dma_semaphore, #tpu.memory_space<semaphore_mem>>)
      } else {
      }
    }
    %scan3A_48 = arith.constant 79 : i32
    %barrier3A_49 = arith.constant 0 : index
    tpu.barrier barrier_id(%barrier3A_49)
    %mul3A_50 = arith.constant 632 : i32
    %mul3A_51 = arith.muli %arg1, %mul3A_50 : i32
    %mul3A_52 = arith.constant 632 : i32
    %mul3A_53 = arith.muli %arg1, %mul3A_52 : i32
    "tpu.region"() ({
      %run_scoped3A = tpu.sem_alloc : memref<!tpu.dma_semaphore, #tpu.memory_space<semaphore_mem>>
      %dma_start3A_54 = arith.constant 0 : i32
      %dma_start3A_55 = arith.constant 0 : i32
      %dma_start3A_56 = tpu.memref_slice %arg4[%arg0, %dma_start3A_54, %dma_start3A_55] : memref<2x10112x64xf32, #tpu.memory_space<hbm>> -> memref<1x10112x64xf32, #tpu.memory_space<hbm>>
      %dma_start3A_57 = tpu.memref_squeeze %dma_start3A_56 : memref<1x10112x64xf32, #tpu.memory_space<hbm>> -> memref<10112x64xf32, #tpu.memory_space<hbm>>
      %dma_start3A_58 = arith.constant 0 : i32
      %dma_start3A_59 = tpu.memref_slice %dma_start3A_57[%mul3A_53, %dma_start3A_58] : memref<10112x64xf32, #tpu.memory_space<hbm>> -> memref<632x64xf32, #tpu.memory_space<hbm>>
      %dma_start3A_60 = arith.constant 0 : i32
      %dma_start3A_61 = tpu.memref_slice %arg11[%mul3A_51, %dma_start3A_60] : memref<10112x64xf32, #tpu.memory_space<vmem_shared>> -> memref<632x64xf32, #tpu.memory_space<vmem_shared>>
      tpu.enqueue_dma source(%dma_start3A_61 : memref<632x64xf32, #tpu.memory_space<vmem_shared>>) target(%dma_start3A_59 : memref<632x64xf32, #tpu.memory_space<hbm>>) target_semaphore(%run_scoped3A : memref<!tpu.dma_semaphore, #tpu.memory_space<semaphore_mem>>)
      %dma_wait3A = arith.constant 0 : i32
      %dma_wait3A_62 = arith.constant 0 : i32
      %dma_wait3A_63 = tpu.memref_slice %arg4[%arg0, %dma_wait3A, %dma_wait3A_62] : memref<2x10112x64xf32, #tpu.memory_space<hbm>> -> memref<1x10112x64xf32, #tpu.memory_space<hbm>>
      %dma_wait3A_64 = tpu.memref_squeeze %dma_wait3A_63 : memref<1x10112x64xf32, #tpu.memory_space<hbm>> -> memref<10112x64xf32, #tpu.memory_space<hbm>>
      %dma_wait3A_65 = arith.constant 0 : i32
      %dma_wait3A_66 = tpu.memref_slice %dma_wait3A_64[%mul3A_53, %dma_wait3A_65] : memref<10112x64xf32, #tpu.memory_space<hbm>> -> memref<632x64xf32, #tpu.memory_space<hbm>>
      %dma_wait3A_67 = arith.constant 0 : i32
      %dma_wait3A_68 = tpu.memref_slice %arg11[%mul3A_51, %dma_wait3A_67] : memref<10112x64xf32, #tpu.memory_space<vmem_shared>> -> memref<632x64xf32, #tpu.memory_space<vmem_shared>>
      tpu.wait_dma2 semaphore(%run_scoped3A : memref<!tpu.dma_semaphore, #tpu.memory_space<semaphore_mem>>) src(%dma_wait3A_68 : memref<632x64xf32, #tpu.memory_space<vmem_shared>>) dst(%dma_wait3A_66 : memref<632x64xf32, #tpu.memory_space<hbm>>)
      tpu.yield
    }) : () -> ()
    return
  }
}

#map = affine_map<(d0, d1) -> (0, 0, 0)>
module attributes {stable_mosaic.version = 14 : i64} {
  func.func @k(%arg0: i32, %arg1: i32, %arg2: memref<2x10000x64xf32, #tpu.memory_space<hbm>>, %arg3: memref<16x158x128xi32, #tpu.memory_space<hbm>>, %arg4: memref<2x10112x64xf32, #tpu.memory_space<hbm>>, %arg5: memref<158x128xi32, #tpu.memory_space<vmem>>, %arg6: memref<158x128xi32, #tpu.memory_space<vmem>>, %arg7: memref<158x128xi32, #tpu.memory_space<vmem>>, %arg8: memref<128x64xf32, #tpu.memory_space<vmem>>, %arg9: memref<128x64xf32, #tpu.memory_space<vmem>>, %arg10: memref<158x64xf32, #tpu.memory_space<vmem>>, %arg11: memref<10112x64xf32, #tpu.memory_space<vmem_shared>>, %arg12: memref<!tpu.dma_semaphore, #tpu.memory_space<semaphore_mem>>, %arg13: memref<!tpu.dma_semaphore, #tpu.memory_space<semaphore_mem>>, %arg14: memref<!tpu.dma_semaphore, #tpu.memory_space<semaphore_mem>>, %arg15: memref<!tpu.dma_semaphore, #tpu.memory_space<semaphore_mem>>) attributes {dimension_semantics = [#tpu.dimension_semantics<core_parallel>, #tpu.dimension_semantics<subcore_parallel>], iteration_bounds = array<i64: 2, 16>, scalar_prefetch = 0 : i64, scratch_operands = 11 : i64, tpu.core_type = #tpu.core_type<sc_vector_subcore>, window_params = [{transform_indices = #map}, {transform_indices = #map}, {transform_indices = #map}]} {
    "tpu.region"() ({
      %run_scoped3A = tpu.sem_alloc : memref<!tpu.dma_semaphore, #tpu.memory_space<semaphore_mem>>
      %dma_start3A_54 = arith.constant 0 : i32
      %dma_start3A_55 = arith.constant 0 : i32
      %dma_start3A_56 = tpu.memref_slice %arg3[%arg1, %dma_start3A_54, %dma_start3A_55] : memref<16x158x128xi32, #tpu.memory_space<hbm>> -> memref<1x158x128xi32, #tpu.memory_space<hbm>>
      %dma_start3A_57 = tpu.memref_squeeze %dma_start3A_56 : memref<1x158x128xi32, #tpu.memory_space<hbm>> -> memref<158x128xi32, #tpu.memory_space<hbm>>
      %dma_start3A_58 = arith.constant 0 : i32
      %dma_start3A_59 = arith.constant 0 : i32
      %dma_start3A_60 = tpu.memref_slice %arg3[%arg1, %dma_start3A_58, %dma_start3A_59] : memref<16x158x128xi32, #tpu.memory_space<hbm>> -> memref<1x158x128xi32, #tpu.memory_space<hbm>>
      %dma_start3A_61 = tpu.memref_squeeze %dma_start3A_60 : memref<1x158x128xi32, #tpu.memory_space<hbm>> -> memref<158x128xi32, #tpu.memory_space<hbm>>
      tpu.enqueue_dma source(%dma_start3A_61 : memref<158x128xi32, #tpu.memory_space<hbm>>) target(%arg5 : memref<158x128xi32, #tpu.memory_space<vmem>>) target_semaphore(%run_scoped3A : memref<!tpu.dma_semaphore, #tpu.memory_space<semaphore_mem>>)
      %dma_wait3A = arith.constant 0 : i32
      %dma_wait3A_62 = arith.constant 0 : i32
      %dma_wait3A_63 = tpu.memref_slice %arg3[%arg1, %dma_wait3A, %dma_wait3A_62] : memref<16x158x128xi32, #tpu.memory_space<hbm>> -> memref<1x158x128xi32, #tpu.memory_space<hbm>>
      %dma_wait3A_64 = tpu.memref_squeeze %dma_wait3A_63 : memref<1x158x128xi32, #tpu.memory_space<hbm>> -> memref<158x128xi32, #tpu.memory_space<hbm>>
      %dma_wait3A_65 = arith.constant 0 : i32
      %dma_wait3A_66 = arith.constant 0 : i32
      %dma_wait3A_67 = tpu.memref_slice %arg3[%arg1, %dma_wait3A_65, %dma_wait3A_66] : memref<16x158x128xi32, #tpu.memory_space<hbm>> -> memref<1x158x128xi32, #tpu.memory_space<hbm>>
      %dma_wait3A_68 = tpu.memref_squeeze %dma_wait3A_67 : memref<1x158x128xi32, #tpu.memory_space<hbm>> -> memref<158x128xi32, #tpu.memory_space<hbm>>
      tpu.wait_dma2 semaphore(%run_scoped3A : memref<!tpu.dma_semaphore, #tpu.memory_space<semaphore_mem>>) src(%dma_wait3A_68 : memref<158x128xi32, #tpu.memory_space<hbm>>) dst(%arg5 : memref<158x128xi32, #tpu.memory_space<vmem>>)
      tpu.yield
    }) : () -> ()
    %scan3A = arith.constant 0 : i32
    %scan3A_0 = arith.constant 158 : i32
    %scan3A_1 = arith.addi %scan3A, %scan3A_0 : i32
    %scan3A_2 = arith.constant 1 : i32
    scf.for %scan3A_54 = %scan3A to %scan3A_1 step %scan3A_2  : i32 {
      %mul3A_55 = arith.constant 1 : i32
      %mul3A_56 = arith.muli %scan3A_54, %mul3A_55 : i32
      %add3A_57 = arith.constant 0 : i32
      %add3A_58 = arith.addi %add3A_57, %mul3A_56 : i32
      %scan3A_59 = arith.constant 0 : i32
      %scan3A_60 = arith.constant 8 : i32
      %scan3A_61 = arith.addi %scan3A_59, %scan3A_60 : i32
      %scan3A_62 = arith.constant 1 : i32
      scf.for %scan3A_64 = %scan3A_59 to %scan3A_61 step %scan3A_62  : i32 {
        %mul3A_65 = arith.constant 16 : i32
        %mul3A_66 = arith.muli %scan3A_64, %mul3A_65 : i32
        %add3A_67 = arith.constant 0 : i32
        %add3A_68 = arith.addi %add3A_67, %mul3A_66 : i32
        %get3A = arith.index_cast %add3A_58 : i32 to index
        %get3A_69 = arith.index_cast %add3A_68 : i32 to index
        %get3A_70 = tpu.vector_load %arg5[%get3A, %get3A_69] {strides = array<i32>} : memref<158x128xi32, #tpu.memory_space<vmem>>, vector<16xi32>,
        %and3A = arith.constant 16383 : i32
        %and3A_71 = vector.broadcast %and3A : i32 to vector<16xi32>
        %and3A_72 = arith.andi %get3A_70, %and3A_71 : vector<16xi32>
        %swap3A = arith.index_cast %add3A_58 : i32 to index
        %swap3A_73 = arith.index_cast %add3A_68 : i32 to index
        %swap3A_74 = tpu.vector_load %arg6[%swap3A, %swap3A_73] {strides = array<i32>} : memref<158x128xi32, #tpu.memory_space<vmem>>, vector<16xi32>,
        tpu.vector_store %arg6[%swap3A, %swap3A_73], %and3A_72 {strides = array<i32>} : memref<158x128xi32, #tpu.memory_space<vmem>>, vector<16xi32>,
        %shift_right_logical3A = arith.constant 14 : i32
        %shift_right_logical3A_75 = vector.broadcast %shift_right_logical3A : i32 to vector<16xi32>
        %shift_right_logical3A_76 = arith.shrui %get3A_70, %shift_right_logical3A_75 : vector<16xi32>
        %swap3A_77 = arith.index_cast %add3A_58 : i32 to index
        %swap3A_78 = arith.index_cast %add3A_68 : i32 to index
        %swap3A_79 = tpu.vector_load %arg7[%swap3A_77, %swap3A_78] {strides = array<i32>} : memref<158x128xi32, #tpu.memory_space<vmem>>, vector<16xi32>,
        tpu.vector_store %arg7[%swap3A_77, %swap3A_78], %shift_right_logical3A_76 {strides = array<i32>} : memref<158x128xi32, #tpu.memory_space<vmem>>, vector<16xi32>,
      }
      %scan3A_63 = arith.constant 8 : i32
    }
    %scan3A_3 = arith.constant 158 : i32
    %scan3A_4 = arith.constant 0 : i32
    %scan3A_5 = arith.constant 158 : i32
    %scan3A_6 = arith.addi %scan3A_4, %scan3A_5 : i32
    %scan3A_7 = arith.constant 1 : i32
    scf.for %scan3A_54 = %scan3A_4 to %scan3A_6 step %scan3A_7  : i32 {
      %mul3A_55 = arith.constant 1 : i32
      %mul3A_56 = arith.muli %scan3A_54, %mul3A_55 : i32
      %add3A_57 = arith.constant 0 : i32
      %add3A_58 = arith.addi %add3A_57, %mul3A_56 : i32
      %scan3A_59 = arith.constant 0 : i32
      %scan3A_60 = arith.constant 4 : i32
      %scan3A_61 = arith.addi %scan3A_59, %scan3A_60 : i32
      %scan3A_62 = arith.constant 1 : i32
      scf.for %scan3A_64 = %scan3A_59 to %scan3A_61 step %scan3A_62  : i32 {
        %mul3A_65 = arith.constant 16 : i32
        %mul3A_66 = arith.muli %scan3A_64, %mul3A_65 : i32
        %add3A_67 = arith.constant 0 : i32
        %add3A_68 = arith.addi %add3A_67, %mul3A_66 : i32
        %broadcast_in_dim3A = arith.constant 0.000000e+00 : f32
        %broadcast_in_dim3A_69 = vector.broadcast %broadcast_in_dim3A : f32 to vector<16xf32>
        %swap3A = arith.index_cast %add3A_58 : i32 to index
        %swap3A_70 = arith.index_cast %add3A_68 : i32 to index
        %swap3A_71 = tpu.vector_load %arg10[%swap3A, %swap3A_70] {strides = array<i32>} : memref<158x64xf32, #tpu.memory_space<vmem>>, vector<16xf32>,
        tpu.vector_store %arg10[%swap3A, %swap3A_70], %broadcast_in_dim3A_69 {strides = array<i32>} : memref<158x64xf32, #tpu.memory_space<vmem>>, vector<16xf32>,
      }
      %scan3A_63 = arith.constant 4 : i32
    }
    %scan3A_8 = arith.constant 158 : i32
    %mul3A = arith.constant 632 : i32
    %mul3A_9 = arith.muli %arg1, %mul3A : i32
    %add3A = arith.constant 0 : i32
    %add3A_10 = arith.addi %mul3A_9, %add3A : i32
    "tpu.region"() ({
      %run_scoped3A = tpu.sem_alloc : memref<!tpu.dma_semaphore, #tpu.memory_space<semaphore_mem>>
      %dma_start3A_54 = arith.constant 0 : i32
      %dma_start3A_55 = tpu.memref_slice %arg11[%add3A_10, %dma_start3A_54] : memref<10112x64xf32, #tpu.memory_space<vmem_shared>> -> memref<158x64xf32, #tpu.memory_space<vmem_shared>>
      %dma_start3A_56 = arith.constant 0 : i32
      %dma_start3A_57 = tpu.memref_slice %arg11[%add3A_10, %dma_start3A_56] : memref<10112x64xf32, #tpu.memory_space<vmem_shared>> -> memref<158x64xf32, #tpu.memory_space<vmem_shared>>
      tpu.enqueue_dma source(%arg10 : memref<158x64xf32, #tpu.memory_space<vmem>>) target(%dma_start3A_57 : memref<158x64xf32, #tpu.memory_space<vmem_shared>>) target_semaphore(%run_scoped3A : memref<!tpu.dma_semaphore, #tpu.memory_space<semaphore_mem>>)
      %dma_wait3A = arith.constant 0 : i32
      %dma_wait3A_58 = tpu.memref_slice %arg11[%add3A_10, %dma_wait3A] : memref<10112x64xf32, #tpu.memory_space<vmem_shared>> -> memref<158x64xf32, #tpu.memory_space<vmem_shared>>
      %dma_wait3A_59 = arith.constant 0 : i32
      %dma_wait3A_60 = tpu.memref_slice %arg11[%add3A_10, %dma_wait3A_59] : memref<10112x64xf32, #tpu.memory_space<vmem_shared>> -> memref<158x64xf32, #tpu.memory_space<vmem_shared>>
      tpu.wait_dma2 semaphore(%run_scoped3A : memref<!tpu.dma_semaphore, #tpu.memory_space<semaphore_mem>>) src(%arg10 : memref<158x64xf32, #tpu.memory_space<vmem>>) dst(%dma_wait3A_60 : memref<158x64xf32, #tpu.memory_space<vmem_shared>>)
      tpu.yield
    }) : () -> ()
    %mul3A_11 = arith.constant 632 : i32
    %mul3A_12 = arith.muli %arg1, %mul3A_11 : i32
    %add3A_13 = arith.constant 158 : i32
    %add3A_14 = arith.addi %mul3A_12, %add3A_13 : i32
    "tpu.region"() ({
      %run_scoped3A = tpu.sem_alloc : memref<!tpu.dma_semaphore, #tpu.memory_space<semaphore_mem>>
      %dma_start3A_54 = arith.constant 0 : i32
      %dma_start3A_55 = tpu.memref_slice %arg11[%add3A_14, %dma_start3A_54] : memref<10112x64xf32, #tpu.memory_space<vmem_shared>> -> memref<158x64xf32, #tpu.memory_space<vmem_shared>>
      %dma_start3A_56 = arith.constant 0 : i32
      %dma_start3A_57 = tpu.memref_slice %arg11[%add3A_14, %dma_start3A_56] : memref<10112x64xf32, #tpu.memory_space<vmem_shared>> -> memref<158x64xf32, #tpu.memory_space<vmem_shared>>
      tpu.enqueue_dma source(%arg10 : memref<158x64xf32, #tpu.memory_space<vmem>>) target(%dma_start3A_57 : memref<158x64xf32, #tpu.memory_space<vmem_shared>>) target_semaphore(%run_scoped3A : memref<!tpu.dma_semaphore, #tpu.memory_space<semaphore_mem>>)
      %dma_wait3A = arith.constant 0 : i32
      %dma_wait3A_58 = tpu.memref_slice %arg11[%add3A_14, %dma_wait3A] : memref<10112x64xf32, #tpu.memory_space<vmem_shared>> -> memref<158x64xf32, #tpu.memory_space<vmem_shared>>
      %dma_wait3A_59 = arith.constant 0 : i32
      %dma_wait3A_60 = tpu.memref_slice %arg11[%add3A_14, %dma_wait3A_59] : memref<10112x64xf32, #tpu.memory_space<vmem_shared>> -> memref<158x64xf32, #tpu.memory_space<vmem_shared>>
      tpu.wait_dma2 semaphore(%run_scoped3A : memref<!tpu.dma_semaphore, #tpu.memory_space<semaphore_mem>>) src(%arg10 : memref<158x64xf32, #tpu.memory_space<vmem>>) dst(%dma_wait3A_60 : memref<158x64xf32, #tpu.memory_space<vmem_shared>>)
      tpu.yield
    }) : () -> ()
    %mul3A_15 = arith.constant 632 : i32
    %mul3A_16 = arith.muli %arg1, %mul3A_15 : i32
    %add3A_17 = arith.constant 316 : i32
    %add3A_18 = arith.addi %mul3A_16, %add3A_17 : i32
    "tpu.region"() ({
      %run_scoped3A = tpu.sem_alloc : memref<!tpu.dma_semaphore, #tpu.memory_space<semaphore_mem>>
      %dma_start3A_54 = arith.constant 0 : i32
      %dma_start3A_55 = tpu.memref_slice %arg11[%add3A_18, %dma_start3A_54] : memref<10112x64xf32, #tpu.memory_space<vmem_shared>> -> memref<158x64xf32, #tpu.memory_space<vmem_shared>>
      %dma_start3A_56 = arith.constant 0 : i32
      %dma_start3A_57 = tpu.memref_slice %arg11[%add3A_18, %dma_start3A_56] : memref<10112x64xf32, #tpu.memory_space<vmem_shared>> -> memref<158x64xf32, #tpu.memory_space<vmem_shared>>
      tpu.enqueue_dma source(%arg10 : memref<158x64xf32, #tpu.memory_space<vmem>>) target(%dma_start3A_57 : memref<158x64xf32, #tpu.memory_space<vmem_shared>>) target_semaphore(%run_scoped3A : memref<!tpu.dma_semaphore, #tpu.memory_space<semaphore_mem>>)
      %dma_wait3A = arith.constant 0 : i32
      %dma_wait3A_58 = tpu.memref_slice %arg11[%add3A_18, %dma_wait3A] : memref<10112x64xf32, #tpu.memory_space<vmem_shared>> -> memref<158x64xf32, #tpu.memory_space<vmem_shared>>
      %dma_wait3A_59 = arith.constant 0 : i32
      %dma_wait3A_60 = tpu.memref_slice %arg11[%add3A_18, %dma_wait3A_59] : memref<10112x64xf32, #tpu.memory_space<vmem_shared>> -> memref<158x64xf32, #tpu.memory_space<vmem_shared>>
      tpu.wait_dma2 semaphore(%run_scoped3A : memref<!tpu.dma_semaphore, #tpu.memory_space<semaphore_mem>>) src(%arg10 : memref<158x64xf32, #tpu.memory_space<vmem>>) dst(%dma_wait3A_60 : memref<158x64xf32, #tpu.memory_space<vmem_shared>>)
      tpu.yield
    }) : () -> ()
    %mul3A_19 = arith.constant 632 : i32
    %mul3A_20 = arith.muli %arg1, %mul3A_19 : i32
    %add3A_21 = arith.constant 474 : i32
    %add3A_22 = arith.addi %mul3A_20, %add3A_21 : i32
    "tpu.region"() ({
      %run_scoped3A = tpu.sem_alloc : memref<!tpu.dma_semaphore, #tpu.memory_space<semaphore_mem>>
      %dma_start3A_54 = arith.constant 0 : i32
      %dma_start3A_55 = tpu.memref_slice %arg11[%add3A_22, %dma_start3A_54] : memref<10112x64xf32, #tpu.memory_space<vmem_shared>> -> memref<158x64xf32, #tpu.memory_space<vmem_shared>>
      %dma_start3A_56 = arith.constant 0 : i32
      %dma_start3A_57 = tpu.memref_slice %arg11[%add3A_22, %dma_start3A_56] : memref<10112x64xf32, #tpu.memory_space<vmem_shared>> -> memref<158x64xf32, #tpu.memory_space<vmem_shared>>
      tpu.enqueue_dma source(%arg10 : memref<158x64xf32, #tpu.memory_space<vmem>>) target(%dma_start3A_57 : memref<158x64xf32, #tpu.memory_space<vmem_shared>>) target_semaphore(%run_scoped3A : memref<!tpu.dma_semaphore, #tpu.memory_space<semaphore_mem>>)
      %dma_wait3A = arith.constant 0 : i32
      %dma_wait3A_58 = tpu.memref_slice %arg11[%add3A_22, %dma_wait3A] : memref<10112x64xf32, #tpu.memory_space<vmem_shared>> -> memref<158x64xf32, #tpu.memory_space<vmem_shared>>
      %dma_wait3A_59 = arith.constant 0 : i32
      %dma_wait3A_60 = tpu.memref_slice %arg11[%add3A_22, %dma_wait3A_59] : memref<10112x64xf32, #tpu.memory_space<vmem_shared>> -> memref<158x64xf32, #tpu.memory_space<vmem_shared>>
      tpu.wait_dma2 semaphore(%run_scoped3A : memref<!tpu.dma_semaphore, #tpu.memory_space<semaphore_mem>>) src(%arg10 : memref<158x64xf32, #tpu.memory_space<vmem>>) dst(%dma_wait3A_60 : memref<158x64xf32, #tpu.memory_space<vmem_shared>>)
      tpu.yield
    }) : () -> ()
    %barrier3A = arith.constant 0 : index
    tpu.barrier barrier_id(%barrier3A)
    %dma_start3A = arith.constant 0 : i32
    %dma_start3A_23 = arith.constant 0 : i32
    %dma_start3A_24 = tpu.memref_slice %arg6[%dma_start3A, %dma_start3A_23] : memref<158x128xi32, #tpu.memory_space<vmem>> -> memref<1x128xi32, #tpu.memory_space<vmem>>
    %dma_start3A_25 = tpu.memref_squeeze %dma_start3A_24 : memref<1x128xi32, #tpu.memory_space<vmem>> -> memref<128xi32, #tpu.memory_space<vmem>>
    %dma_start3A_26 = arith.constant 0 : i32
    %dma_start3A_27 = arith.constant 0 : i32
    %dma_start3A_28 = tpu.memref_slice %arg2[%arg0, %dma_start3A_26, %dma_start3A_27] : memref<2x10000x64xf32, #tpu.memory_space<hbm>> -> memref<1x10000x64xf32, #tpu.memory_space<hbm>>
    %dma_start3A_29 = tpu.memref_squeeze %dma_start3A_28 : memref<1x10000x64xf32, #tpu.memory_space<hbm>> -> memref<10000x64xf32, #tpu.memory_space<hbm>>
    %dma_start3A_30 = arith.constant 0 : i32
    %dma_start3A_31 = arith.constant 0 : i32
    %dma_start3A_32 = tpu.memref_slice %dma_start3A_29[%dma_start3A_30, %dma_start3A_31] : memref<10000x64xf32, #tpu.memory_space<hbm>> -> memref<10000x64xf32, #tpu.memory_space<hbm>>
    tpu.enqueue_indirect_dma source(%dma_start3A_32 : memref<10000x64xf32, #tpu.memory_space<hbm>>) target(%arg8 : memref<128x64xf32, #tpu.memory_space<vmem>>) offsets(%dma_start3A_25 : memref<128xi32, #tpu.memory_space<vmem>>) semaphore(%arg12 : memref<!tpu.dma_semaphore, #tpu.memory_space<semaphore_mem>>)
    %dma_start3A_33 = arith.constant 1 : i32
    %dma_start3A_34 = arith.constant 0 : i32
    %dma_start3A_35 = tpu.memref_slice %arg6[%dma_start3A_33, %dma_start3A_34] : memref<158x128xi32, #tpu.memory_space<vmem>> -> memref<1x128xi32, #tpu.memory_space<vmem>>
    %dma_start3A_36 = tpu.memref_squeeze %dma_start3A_35 : memref<1x128xi32, #tpu.memory_space<vmem>> -> memref<128xi32, #tpu.memory_space<vmem>>
    %dma_start3A_37 = arith.constant 0 : i32
    %dma_start3A_38 = arith.constant 0 : i32
    %dma_start3A_39 = tpu.memref_slice %arg2[%arg0, %dma_start3A_37, %dma_start3A_38] : memref<2x10000x64xf32, #tpu.memory_space<hbm>> -> memref<1x10000x64xf32, #tpu.memory_space<hbm>>
    %dma_start3A_40 = tpu.memref_squeeze %dma_start3A_39 : memref<1x10000x64xf32, #tpu.memory_space<hbm>> -> memref<10000x64xf32, #tpu.memory_space<hbm>>
    %dma_start3A_41 = arith.constant 0 : i32
    %dma_start3A_42 = arith.constant 0 : i32
    %dma_start3A_43 = tpu.memref_slice %dma_start3A_40[%dma_start3A_41, %dma_start3A_42] : memref<10000x64xf32, #tpu.memory_space<hbm>> -> memref<10000x64xf32, #tpu.memory_space<hbm>>
    tpu.enqueue_indirect_dma source(%dma_start3A_43 : memref<10000x64xf32, #tpu.memory_space<hbm>>) target(%arg9 : memref<128x64xf32, #tpu.memory_space<vmem>>) offsets(%dma_start3A_36 : memref<128xi32, #tpu.memory_space<vmem>>) semaphore(%arg13 : memref<!tpu.dma_semaphore, #tpu.memory_space<semaphore_mem>>)
    %scan3A_44 = arith.constant 0 : i32
    %scan3A_45 = arith.constant 79 : i32
    %scan3A_46 = arith.addi %scan3A_44, %scan3A_45 : i32
    %scan3A_47 = arith.constant 1 : i32
    scf.for %scan3A_54 = %scan3A_44 to %scan3A_46 step %scan3A_47  : i32 {
      %mul3A_55 = arith.constant 2 : i32
      %mul3A_56 = arith.muli %scan3A_54, %mul3A_55 : i32
      %add3A_57 = arith.constant 0 : i32
      %add3A_58 = arith.addi %add3A_57, %mul3A_56 : i32
      %dma_wait3A = arith.constant 0 : i32
      %dma_wait3A_59 = tpu.memref_slice %arg6[%add3A_58, %dma_wait3A] : memref<158x128xi32, #tpu.memory_space<vmem>> -> memref<1x128xi32, #tpu.memory_space<vmem>>
      %dma_wait3A_60 = tpu.memref_squeeze %dma_wait3A_59 : memref<1x128xi32, #tpu.memory_space<vmem>> -> memref<128xi32, #tpu.memory_space<vmem>>
      %dma_wait3A_61 = arith.constant 0 : i32
      %dma_wait3A_62 = arith.constant 0 : i32
      %dma_wait3A_63 = tpu.memref_slice %arg2[%arg0, %dma_wait3A_61, %dma_wait3A_62] : memref<2x10000x64xf32, #tpu.memory_space<hbm>> -> memref<1x10000x64xf32, #tpu.memory_space<hbm>>
      %dma_wait3A_64 = tpu.memref_squeeze %dma_wait3A_63 : memref<1x10000x64xf32, #tpu.memory_space<hbm>> -> memref<10000x64xf32, #tpu.memory_space<hbm>>
      %dma_wait3A_65 = arith.constant 0 : i32
      %dma_wait3A_66 = arith.constant 0 : i32
      %dma_wait3A_67 = tpu.memref_slice %dma_wait3A_64[%dma_wait3A_65, %dma_wait3A_66] : memref<10000x64xf32, #tpu.memory_space<hbm>> -> memref<10000x64xf32, #tpu.memory_space<hbm>>
      tpu.wait_indirect_dma semaphore(%arg12 : memref<!tpu.dma_semaphore, #tpu.memory_space<semaphore_mem>>) src(%dma_wait3A_67 : memref<10000x64xf32, #tpu.memory_space<hbm>>) dst(%arg8 : memref<128x64xf32, #tpu.memory_space<vmem>>)
      %dma_start3A_68 = arith.constant 0 : i32
      %dma_start3A_69 = tpu.memref_slice %arg7[%add3A_58, %dma_start3A_68] : memref<158x128xi32, #tpu.memory_space<vmem>> -> memref<1x128xi32, #tpu.memory_space<vmem>>
      %dma_start3A_70 = tpu.memref_squeeze %dma_start3A_69 : memref<1x128xi32, #tpu.memory_space<vmem>> -> memref<128xi32, #tpu.memory_space<vmem>>
      %dma_start3A_71 = arith.constant 0 : i32
      %dma_start3A_72 = arith.constant 0 : i32
      %dma_start3A_73 = tpu.memref_slice %arg11[%dma_start3A_71, %dma_start3A_72] : memref<10112x64xf32, #tpu.memory_space<vmem_shared>> -> memref<10112x64xf32, #tpu.memory_space<vmem_shared>>
      tpu.enqueue_indirect_dma source(%arg8 : memref<128x64xf32, #tpu.memory_space<vmem>>) target(%dma_start3A_73 : memref<10112x64xf32, #tpu.memory_space<vmem_shared>>) offsets(%dma_start3A_70 : memref<128xi32, #tpu.memory_space<vmem>>) semaphore(%arg14 : memref<!tpu.dma_semaphore, #tpu.memory_space<semaphore_mem>>) {add = true}
      %add3A_74 = arith.constant 1 : i32
      %add3A_75 = arith.addi %add3A_58, %add3A_74 : i32
      %dma_wait3A_76 = arith.constant 0 : i32
      %dma_wait3A_77 = tpu.memref_slice %arg6[%add3A_75, %dma_wait3A_76] : memref<158x128xi32, #tpu.memory_space<vmem>> -> memref<1x128xi32, #tpu.memory_space<vmem>>
      %dma_wait3A_78 = tpu.memref_squeeze %dma_wait3A_77 : memref<1x128xi32, #tpu.memory_space<vmem>> -> memref<128xi32, #tpu.memory_space<vmem>>
      %dma_wait3A_79 = arith.constant 0 : i32
      %dma_wait3A_80 = arith.constant 0 : i32
      %dma_wait3A_81 = tpu.memref_slice %arg2[%arg0, %dma_wait3A_79, %dma_wait3A_80] : memref<2x10000x64xf32, #tpu.memory_space<hbm>> -> memref<1x10000x64xf32, #tpu.memory_space<hbm>>
      %dma_wait3A_82 = tpu.memref_squeeze %dma_wait3A_81 : memref<1x10000x64xf32, #tpu.memory_space<hbm>> -> memref<10000x64xf32, #tpu.memory_space<hbm>>
      %dma_wait3A_83 = arith.constant 0 : i32
      %dma_wait3A_84 = arith.constant 0 : i32
      %dma_wait3A_85 = tpu.memref_slice %dma_wait3A_82[%dma_wait3A_83, %dma_wait3A_84] : memref<10000x64xf32, #tpu.memory_space<hbm>> -> memref<10000x64xf32, #tpu.memory_space<hbm>>
      tpu.wait_indirect_dma semaphore(%arg13 : memref<!tpu.dma_semaphore, #tpu.memory_space<semaphore_mem>>) src(%dma_wait3A_85 : memref<10000x64xf32, #tpu.memory_space<hbm>>) dst(%arg9 : memref<128x64xf32, #tpu.memory_space<vmem>>)
      %add3A_86 = arith.constant 1 : i32
      %add3A_87 = arith.addi %add3A_58, %add3A_86 : i32
      %dma_start3A_88 = arith.constant 0 : i32
      %dma_start3A_89 = tpu.memref_slice %arg7[%add3A_87, %dma_start3A_88] : memref<158x128xi32, #tpu.memory_space<vmem>> -> memref<1x128xi32, #tpu.memory_space<vmem>>
      %dma_start3A_90 = tpu.memref_squeeze %dma_start3A_89 : memref<1x128xi32, #tpu.memory_space<vmem>> -> memref<128xi32, #tpu.memory_space<vmem>>
      %dma_start3A_91 = arith.constant 0 : i32
      %dma_start3A_92 = arith.constant 0 : i32
      %dma_start3A_93 = tpu.memref_slice %arg11[%dma_start3A_91, %dma_start3A_92] : memref<10112x64xf32, #tpu.memory_space<vmem_shared>> -> memref<10112x64xf32, #tpu.memory_space<vmem_shared>>
      tpu.enqueue_indirect_dma source(%arg9 : memref<128x64xf32, #tpu.memory_space<vmem>>) target(%dma_start3A_93 : memref<10112x64xf32, #tpu.memory_space<vmem_shared>>) offsets(%dma_start3A_90 : memref<128xi32, #tpu.memory_space<vmem>>) semaphore(%arg15 : memref<!tpu.dma_semaphore, #tpu.memory_space<semaphore_mem>>) {add = true}
      %dma_wait3A_94 = arith.constant 0 : i32
      %dma_wait3A_95 = tpu.memref_slice %arg7[%add3A_58, %dma_wait3A_94] : memref<158x128xi32, #tpu.memory_space<vmem>> -> memref<1x128xi32, #tpu.memory_space<vmem>>
      %dma_wait3A_96 = tpu.memref_squeeze %dma_wait3A_95 : memref<1x128xi32, #tpu.memory_space<vmem>> -> memref<128xi32, #tpu.memory_space<vmem>>
      %dma_wait3A_97 = arith.constant 0 : i32
      %dma_wait3A_98 = arith.constant 0 : i32
      %dma_wait3A_99 = tpu.memref_slice %arg11[%dma_wait3A_97, %dma_wait3A_98] : memref<10112x64xf32, #tpu.memory_space<vmem_shared>> -> memref<10112x64xf32, #tpu.memory_space<vmem_shared>>
      tpu.wait_indirect_dma semaphore(%arg14 : memref<!tpu.dma_semaphore, #tpu.memory_space<semaphore_mem>>) src(%arg8 : memref<128x64xf32, #tpu.memory_space<vmem>>) dst(%dma_wait3A_99 : memref<10112x64xf32, #tpu.memory_space<vmem_shared>>)
      %add3A_100 = arith.constant 2 : i32
      %add3A_101 = arith.addi %add3A_58, %add3A_100 : i32
      %lt3A = arith.constant 158 : i32
      %lt3A_102 = arith.cmpi slt, %add3A_101, %lt3A : i32
      %convert_element_type3A = arith.extui %lt3A_102 : i1 to i32
      %cond3A = arith.constant 0 : i32
      %cond3A_103 = arith.cmpi ne, %convert_element_type3A, %cond3A : i32
      scf.if %cond3A_103 {
        %add3A_119 = arith.constant 2 : i32
        %add3A_120 = arith.addi %add3A_58, %add3A_119 : i32
        %dma_start3A_121 = arith.constant 0 : i32
        %dma_start3A_122 = tpu.memref_slice %arg6[%add3A_120, %dma_start3A_121] : memref<158x128xi32, #tpu.memory_space<vmem>> -> memref<1x128xi32, #tpu.memory_space<vmem>>
        %dma_start3A_123 = tpu.memref_squeeze %dma_start3A_122 : memref<1x128xi32, #tpu.memory_space<vmem>> -> memref<128xi32, #tpu.memory_space<vmem>>
        %dma_start3A_124 = arith.constant 0 : i32
        %dma_start3A_125 = arith.constant 0 : i32
        %dma_start3A_126 = tpu.memref_slice %arg2[%arg0, %dma_start3A_124, %dma_start3A_125] : memref<2x10000x64xf32, #tpu.memory_space<hbm>> -> memref<1x10000x64xf32, #tpu.memory_space<hbm>>
        %dma_start3A_127 = tpu.memref_squeeze %dma_start3A_126 : memref<1x10000x64xf32, #tpu.memory_space<hbm>> -> memref<10000x64xf32, #tpu.memory_space<hbm>>
        %dma_start3A_128 = arith.constant 0 : i32
        %dma_start3A_129 = arith.constant 0 : i32
        %dma_start3A_130 = tpu.memref_slice %dma_start3A_127[%dma_start3A_128, %dma_start3A_129] : memref<10000x64xf32, #tpu.memory_space<hbm>> -> memref<10000x64xf32, #tpu.memory_space<hbm>>
        tpu.enqueue_indirect_dma source(%dma_start3A_130 : memref<10000x64xf32, #tpu.memory_space<hbm>>) target(%arg8 : memref<128x64xf32, #tpu.memory_space<vmem>>) offsets(%dma_start3A_123 : memref<128xi32, #tpu.memory_space<vmem>>) semaphore(%arg12 : memref<!tpu.dma_semaphore, #tpu.memory_space<semaphore_mem>>)
      } else {
      }
      %add3A_104 = arith.constant 1 : i32
      %add3A_105 = arith.addi %add3A_58, %add3A_104 : i32
      %dma_wait3A_106 = arith.constant 0 : i32
      %dma_wait3A_107 = tpu.memref_slice %arg7[%add3A_105, %dma_wait3A_106] : memref<158x128xi32, #tpu.memory_space<vmem>> -> memref<1x128xi32, #tpu.memory_space<vmem>>
      %dma_wait3A_108 = tpu.memref_squeeze %dma_wait3A_107 : memref<1x128xi32, #tpu.memory_space<vmem>> -> memref<128xi32, #tpu.memory_space<vmem>>
      %dma_wait3A_109 = arith.constant 0 : i32
      %dma_wait3A_110 = arith.constant 0 : i32
      %dma_wait3A_111 = tpu.memref_slice %arg11[%dma_wait3A_109, %dma_wait3A_110] : memref<10112x64xf32, #tpu.memory_space<vmem_shared>> -> memref<10112x64xf32, #tpu.memory_space<vmem_shared>>
      tpu.wait_indirect_dma semaphore(%arg15 : memref<!tpu.dma_semaphore, #tpu.memory_space<semaphore_mem>>) src(%arg9 : memref<128x64xf32, #tpu.memory_space<vmem>>) dst(%dma_wait3A_111 : memref<10112x64xf32, #tpu.memory_space<vmem_shared>>)
      %add3A_112 = arith.constant 3 : i32
      %add3A_113 = arith.addi %add3A_58, %add3A_112 : i32
      %lt3A_114 = arith.constant 158 : i32
      %lt3A_115 = arith.cmpi slt, %add3A_113, %lt3A_114 : i32
      %convert_element_type3A_116 = arith.extui %lt3A_115 : i1 to i32
      %cond3A_117 = arith.constant 0 : i32
      %cond3A_118 = arith.cmpi ne, %convert_element_type3A_116, %cond3A_117 : i32
      scf.if %cond3A_118 {
        %add3A_119 = arith.constant 3 : i32
        %add3A_120 = arith.addi %add3A_58, %add3A_119 : i32
        %dma_start3A_121 = arith.constant 0 : i32
        %dma_start3A_122 = tpu.memref_slice %arg6[%add3A_120, %dma_start3A_121] : memref<158x128xi32, #tpu.memory_space<vmem>> -> memref<1x128xi32, #tpu.memory_space<vmem>>
        %dma_start3A_123 = tpu.memref_squeeze %dma_start3A_122 : memref<1x128xi32, #tpu.memory_space<vmem>> -> memref<128xi32, #tpu.memory_space<vmem>>
        %dma_start3A_124 = arith.constant 0 : i32
        %dma_start3A_125 = arith.constant 0 : i32
        %dma_start3A_126 = tpu.memref_slice %arg2[%arg0, %dma_start3A_124, %dma_start3A_125] : memref<2x10000x64xf32, #tpu.memory_space<hbm>> -> memref<1x10000x64xf32, #tpu.memory_space<hbm>>
        %dma_start3A_127 = tpu.memref_squeeze %dma_start3A_126 : memref<1x10000x64xf32, #tpu.memory_space<hbm>> -> memref<10000x64xf32, #tpu.memory_space<hbm>>
        %dma_start3A_128 = arith.constant 0 : i32
        %dma_start3A_129 = arith.constant 0 : i32
        %dma_start3A_130 = tpu.memref_slice %dma_start3A_127[%dma_start3A_128, %dma_start3A_129] : memref<10000x64xf32, #tpu.memory_space<hbm>> -> memref<10000x64xf32, #tpu.memory_space<hbm>>
        tpu.enqueue_indirect_dma source(%dma_start3A_130 : memref<10000x64xf32, #tpu.memory_space<hbm>>) target(%arg9 : memref<128x64xf32, #tpu.memory_space<vmem>>) offsets(%dma_start3A_123 : memref<128xi32, #tpu.memory_space<vmem>>) semaphore(%arg13 : memref<!tpu.dma_semaphore, #tpu.memory_space<semaphore_mem>>)
      } else {
      }
    }
    %scan3A_48 = arith.constant 79 : i32
    %barrier3A_49 = arith.constant 0 : index
    tpu.barrier barrier_id(%barrier3A_49)
    %mul3A_50 = arith.constant 632 : i32
    %mul3A_51 = arith.muli %arg1, %mul3A_50 : i32
    %mul3A_52 = arith.constant 632 : i32
    %mul3A_53 = arith.muli %arg1, %mul3A_52 : i32
    "tpu.region"() ({
      %run_scoped3A = tpu.sem_alloc : memref<!tpu.dma_semaphore, #tpu.memory_space<semaphore_mem>>
      %dma_start3A_54 = arith.constant 0 : i32
      %dma_start3A_55 = arith.constant 0 : i32
      %dma_start3A_56 = tpu.memref_slice %arg4[%arg0, %dma_start3A_54, %dma_start3A_55] : memref<2x10112x64xf32, #tpu.memory_space<hbm>> -> memref<1x10112x64xf32, #tpu.memory_space<hbm>>
      %dma_start3A_57 = tpu.memref_squeeze %dma_start3A_56 : memref<1x10112x64xf32, #tpu.memory_space<hbm>> -> memref<10112x64xf32, #tpu.memory_space<hbm>>
      %dma_start3A_58 = arith.constant 0 : i32
      %dma_start3A_59 = tpu.memref_slice %dma_start3A_57[%mul3A_53, %dma_start3A_58] : memref<10112x64xf32, #tpu.memory_space<hbm>> -> memref<632x64xf32, #tpu.memory_space<hbm>>
      %dma_start3A_60 = arith.constant 0 : i32
      %dma_start3A_61 = tpu.memref_slice %arg11[%mul3A_51, %dma_start3A_60] : memref<10112x64xf32, #tpu.memory_space<vmem_shared>> -> memref<632x64xf32, #tpu.memory_space<vmem_shared>>
      tpu.enqueue_dma source(%dma_start3A_61 : memref<632x64xf32, #tpu.memory_space<vmem_shared>>) target(%dma_start3A_59 : memref<632x64xf32, #tpu.memory_space<hbm>>) target_semaphore(%run_scoped3A : memref<!tpu.dma_semaphore, #tpu.memory_space<semaphore_mem>>)
      %dma_wait3A = arith.constant 0 : i32
      %dma_wait3A_62 = arith.constant 0 : i32
      %dma_wait3A_63 = tpu.memref_slice %arg4[%arg0, %dma_wait3A, %dma_wait3A_62] : memref<2x10112x64xf32, #tpu.memory_space<hbm>> -> memref<1x10112x64xf32, #tpu.memory_space<hbm>>
      %dma_wait3A_64 = tpu.memref_squeeze %dma_wait3A_63 : memref<1x10112x64xf32, #tpu.memory_space<hbm>> -> memref<10112x64xf32, #tpu.memory_space<hbm>>
      %dma_wait3A_65 = arith.constant 0 : i32
      %dma_wait3A_66 = tpu.memref_slice %dma_wait3A_64[%mul3A_53, %dma_wait3A_65] : memref<10112x64xf32, #tpu.memory_space<hbm>> -> memref<632x64xf32, #tpu.memory_space<hbm>>
      %dma_wait3A_67 = arith.constant 0 : i32
      %dma_wait3A_68 = tpu.memref_slice %arg11[%mul3A_51, %dma_wait3A_67] : memref<10112x64xf32, #tpu.memory_space<vmem_shared>> -> memref<632x64xf32, #tpu.memory_space<vmem_shared>>
      tpu.wait_dma2 semaphore(%run_scoped3A : memref<!tpu.dma_semaphore, #tpu.memory_space<semaphore_mem>>) src(%dma_wait3A_68 : memref<632x64xf32, #tpu.memory_space<vmem_shared>>) dst(%dma_wait3A_66 : memref<632x64xf32, #tpu.memory_space<hbm>>)
      tpu.yield
    }) : () -> ()
    return
  }
}

module attributes {stable_mosaic.version = 14 : i64} {
  func.func @_mm_body(%arg0: i32, %arg1: memref<2000x128xf32, #tpu.memory_space<vmem>>, %arg2: memref<128x128xf32, #tpu.memory_space<vmem>>, %arg3: memref<1x128xf32, #tpu.memory_space<vmem>>, %arg4: memref<2000x128xf32, #tpu.memory_space<vmem>>) attributes {dimension_semantics = [#tpu.dimension_semantics<arbitrary>], iteration_bounds = array<i64: 5>, scalar_prefetch = 0 : i64, scratch_operands = 0 : i64, tpu.core_type = #tpu.core_type<tc>, window_params = [{transform_indices = @transform_0, window_bounds = array<i64: 2000, 128>}, {pipeline_mode = #tpu.pipeline_mode<synchronous>, transform_indices = @transform_1, window_bounds = array<i64: 128, 128>}, {pipeline_mode = #tpu.pipeline_mode<synchronous>, transform_indices = @transform_2, window_bounds = array<i64: 1, 128>}, {transform_indices = @transform_3, window_bounds = array<i64: 2000, 128>}]} {
    %get3A = arith.constant 0 : index
    %get3A_0 = arith.constant 0 : index
    %get3A_1 = vector.load %arg1[%get3A, %get3A_0] : memref<2000x128xf32, #tpu.memory_space<vmem>>, vector<2000x128xf32>
    %get3A_2 = arith.constant 0 : index
    %get3A_3 = arith.constant 0 : index
    %get3A_4 = vector.load %arg2[%get3A_2, %get3A_3] : memref<128x128xf32, #tpu.memory_space<vmem>>, vector<128x128xf32>
    %dot_general3A = arith.constant dense<0.000000e+00> : vector<2000x128xf32>
    %dot_general3A_5 = tpu.matmul %get3A_1, %get3A_4, %dot_general3A {dimension_numbers = #tpu.dot_dimension_numbers<[1], [0], [0], [1], [0, 0, 1, 1], [], []>, transpose_lhs_hint = false} : vector<2000x128xf32>, vector<128x128xf32>, vector<2000x128xf32> -> vector<2000x128xf32>
    %get3A_6 = arith.constant 0 : index
    %get3A_7 = arith.constant 0 : index
    %get3A_8 = vector.load %arg3[%get3A_6, %get3A_7] : memref<1x128xf32, #tpu.memory_space<vmem>>, vector<1x128xf32>
    %add3A = vector.broadcast %get3A_8 : vector<1x128xf32> to vector<2000x128xf32>
    %add3A_9 = arith.addf %dot_general3A_5, %add3A : vector<2000x128xf32>
    %swap3A = arith.constant 0 : index
    %swap3A_10 = arith.constant 0 : index
    %swap3A_11 = vector.load %arg4[%swap3A, %swap3A_10] : memref<2000x128xf32, #tpu.memory_space<vmem>>, vector<2000x128xf32>
    tpu.vector_store %arg4[%swap3A, %swap3A_10], %add3A_9 {strides = array<i32>} : memref<2000x128xf32, #tpu.memory_space<vmem>>, vector<2000x128xf32>,
    return
  }
  func.func @transform_0(%arg0: i32) -> (i32, i32) {
    %c0_i32 = arith.constant 0 : i32
    %c0_i32_0 = arith.constant 0 : i32
    return %arg0, %c0_i32 : i32, i32
  }
  func.func @transform_1(%arg0: i32) -> (i32, i32) {
    %c0_i32 = arith.constant 0 : i32
    %c0_i32_0 = arith.constant 0 : i32
    %c0_i32_1 = arith.constant 0 : i32
    return %c0_i32, %c0_i32_0 : i32, i32
  }
  func.func @transform_2(%arg0: i32) -> (i32, i32) {
    %c0_i32 = arith.constant 0 : i32
    %c0_i32_0 = arith.constant 0 : i32
    %c0_i32_1 = arith.constant 0 : i32
    return %c0_i32, %c0_i32_0 : i32, i32
  }
  func.func @transform_3(%arg0: i32) -> (i32, i32) {
    %c0_i32 = arith.constant 0 : i32
    %c0_i32_0 = arith.constant 0 : i32
    return %arg0, %c0_i32 : i32, i32
  }
}

module attributes {stable_mosaic.version = 14 : i64} {
  func.func @_layer_body(%arg0: i32, %arg1: memref<1x2000x64xf32, #tpu.memory_space<vmem>>, %arg2: memref<1x2000x64xf32, #tpu.memory_space<vmem>>, %arg3: memref<2000x32xf32, #tpu.memory_space<vmem>>, %arg4: memref<2000x128xf32, #tpu.memory_space<vmem>>, %arg5: memref<128x128xf32, #tpu.memory_space<vmem>>, %arg6: memref<2x2000x64xf32, #tpu.memory_space<vmem>>) attributes {dimension_semantics = [#tpu.dimension_semantics<arbitrary>], iteration_bounds = array<i64: 5>, scalar_prefetch = 0 : i64, scratch_operands = 0 : i64, tpu.core_type = #tpu.core_type<tc>, window_params = [{transform_indices = @transform_0, window_bounds = array<i64: 1, 2000, 64>}, {transform_indices = @transform_1, window_bounds = array<i64: 1, 2000, 64>}, {transform_indices = @transform_2, window_bounds = array<i64: 2000, 32>}, {transform_indices = @transform_3, window_bounds = array<i64: 2000, 128>}, {pipeline_mode = #tpu.pipeline_mode<synchronous>, transform_indices = @transform_4, window_bounds = array<i64: 128, 128>}, {transform_indices = @transform_5, window_bounds = array<i64: 2, 2000, 64>}]} {
    %get3A = arith.constant 0 : index
    %get3A_0 = arith.constant 0 : index
    %get3A_1 = arith.constant 0 : index
    %get3A_2 = vector.load %arg1[%get3A, %get3A_0, %get3A_1] : memref<1x2000x64xf32, #tpu.memory_space<vmem>>, vector<1x2000x64xf32>
    %get3A_3 = vector.shape_cast %get3A_2 : vector<1x2000x64xf32> to vector<2000x64xf32>
    %get3A_4 = arith.constant 0 : index
    %get3A_5 = arith.constant 0 : index
    %get3A_6 = arith.constant 0 : index
    %get3A_7 = vector.load %arg2[%get3A_4, %get3A_5, %get3A_6] : memref<1x2000x64xf32, #tpu.memory_space<vmem>>, vector<1x2000x64xf32>
    %get3A_8 = vector.shape_cast %get3A_7 : vector<1x2000x64xf32> to vector<2000x64xf32>
    %concatenate3A = tpu.concatenate %get3A_3, %get3A_8 in 1 : vector<2000x64xf32>, vector<2000x64xf32> -> vector<2000x128xf32>
    %get3A_9 = arith.constant 0 : index
    %get3A_10 = arith.constant 0 : index
    %get3A_11 = vector.load %arg3[%get3A_9, %get3A_10] : memref<2000x32xf32, #tpu.memory_space<vmem>>, vector<2000x32xf32>
    %reduce_sum3A = arith.constant dense<0.000000e+00> : vector<2000xf32>
    %reduce_sum3A_12 = vector.multi_reduction <add>, %get3A_11, %reduce_sum3A [1] : vector<2000x32xf32> to vector<2000xf32>
    %broadcast_in_dim3A = vector.shape_cast %reduce_sum3A_12 : vector<2000xf32> to vector<2000x1xf32>
    %max3A = arith.constant 1.000000e+00 : f32
    %max3A_13 = vector.broadcast %max3A : f32 to vector<2000x1xf32>
    %max3A_14 = arith.maximumf %broadcast_in_dim3A, %max3A_13 : vector<2000x1xf32>
    %div3A = vector.broadcast %max3A_14 : vector<2000x1xf32> to vector<2000x128xf32>
    %div3A_15 = arith.divf %concatenate3A, %div3A : vector<2000x128xf32>
    %get3A_16 = arith.constant 0 : index
    %get3A_17 = arith.constant 0 : index
    %get3A_18 = vector.load %arg5[%get3A_16, %get3A_17] : memref<128x128xf32, #tpu.memory_space<vmem>>, vector<128x128xf32>
    %dot_general3A = arith.constant dense<0.000000e+00> : vector<2000x128xf32>
    %dot_general3A_19 = tpu.matmul %div3A_15, %get3A_18, %dot_general3A {dimension_numbers = #tpu.dot_dimension_numbers<[1], [0], [0], [1], [0, 0, 1, 1], [], []>, transpose_lhs_hint = false} : vector<2000x128xf32>, vector<128x128xf32>, vector<2000x128xf32> -> vector<2000x128xf32>
    %get3A_20 = arith.constant 0 : index
    %get3A_21 = arith.constant 0 : index
    %get3A_22 = vector.load %arg4[%get3A_20, %get3A_21] : memref<2000x128xf32, #tpu.memory_space<vmem>>, vector<2000x128xf32>
    %add3A = arith.addf %dot_general3A_19, %get3A_22 : vector<2000x128xf32>
    %max3A_23 = arith.constant 0.000000e+00 : f32
    %max3A_24 = vector.broadcast %max3A_23 : f32 to vector<2000x128xf32>
    %max3A_25 = arith.maximumf %add3A, %max3A_24 : vector<2000x128xf32>
    %slice3A = vector.extract_strided_slice %max3A_25 {offsets = [0, 0], sizes = [2000, 64], strides = [1, 1]} : vector<2000x128xf32> to vector<2000x64xf32>
    %swap3A = arith.constant 0 : index
    %swap3A_26 = arith.constant 0 : index
    %swap3A_27 = arith.constant 0 : index
    %swap3A_28 = vector.load %arg6[%swap3A, %swap3A_26, %swap3A_27] : memref<2x2000x64xf32, #tpu.memory_space<vmem>>, vector<1x2000x64xf32>
    %swap3A_29 = vector.shape_cast %swap3A_28 : vector<1x2000x64xf32> to vector<2000x64xf32>
    %swap3A_30 = vector.shape_cast %slice3A : vector<2000x64xf32> to vector<1x2000x64xf32>
    tpu.vector_store %arg6[%swap3A, %swap3A_26, %swap3A_27], %swap3A_30 {strides = array<i32>} : memref<2x2000x64xf32, #tpu.memory_space<vmem>>, vector<1x2000x64xf32>,
    %slice3A_31 = vector.extract_strided_slice %max3A_25 {offsets = [0, 64], sizes = [2000, 64], strides = [1, 1]} : vector<2000x128xf32> to vector<2000x64xf32>
    %swap3A_32 = arith.constant 1 : index
    %swap3A_33 = arith.constant 0 : index
    %swap3A_34 = arith.constant 0 : index
    %swap3A_35 = vector.load %arg6[%swap3A_32, %swap3A_33, %swap3A_34] : memref<2x2000x64xf32, #tpu.memory_space<vmem>>, vector<1x2000x64xf32>
    %swap3A_36 = vector.shape_cast %swap3A_35 : vector<1x2000x64xf32> to vector<2000x64xf32>
    %swap3A_37 = vector.shape_cast %slice3A_31 : vector<2000x64xf32> to vector<1x2000x64xf32>
    tpu.vector_store %arg6[%swap3A_32, %swap3A_33, %swap3A_34], %swap3A_37 {strides = array<i32>} : memref<2x2000x64xf32, #tpu.memory_space<vmem>>, vector<1x2000x64xf32>,
    return
  }
  func.func @transform_0(%arg0: i32) -> (i32, i32, i32) {
    %c0_i32 = arith.constant 0 : i32
    %c0_i32_0 = arith.constant 0 : i32
    %c0_i32_1 = arith.constant 0 : i32
    return %c0_i32, %arg0, %c0_i32_0 : i32, i32, i32
  }
  func.func @transform_1(%arg0: i32) -> (i32, i32, i32) {
    %c1_i32 = arith.constant 1 : i32
    %c0_i32 = arith.constant 0 : i32
    %c0_i32_0 = arith.constant 0 : i32
    return %c1_i32, %arg0, %c0_i32 : i32, i32, i32
  }
  func.func @transform_2(%arg0: i32) -> (i32, i32) {
    %c0_i32 = arith.constant 0 : i32
    %c0_i32_0 = arith.constant 0 : i32
    return %arg0, %c0_i32 : i32, i32
  }
  func.func @transform_3(%arg0: i32) -> (i32, i32) {
    %c0_i32 = arith.constant 0 : i32
    %c0_i32_0 = arith.constant 0 : i32
    return %arg0, %c0_i32 : i32, i32
  }
  func.func @transform_4(%arg0: i32) -> (i32, i32) {
    %c0_i32 = arith.constant 0 : i32
    %c0_i32_0 = arith.constant 0 : i32
    %c0_i32_1 = arith.constant 0 : i32
    return %c0_i32, %c0_i32_0 : i32, i32
  }
  func.func @transform_5(%arg0: i32) -> (i32, i32, i32) {
    %c0_i32 = arith.constant 0 : i32
    %c0_i32_0 = arith.constant 0 : i32
    %c0_i32_1 = arith.constant 0 : i32
    return %c0_i32, %arg0, %c0_i32_0 : i32, i32, i32
  }
}

module attributes {stable_mosaic.version = 14 : i64} {
  func.func @_mm_split_body(%arg0: i32, %arg1: memref<1x2000x64xf32, #tpu.memory_space<vmem>>, %arg2: memref<1x2000x64xf32, #tpu.memory_space<vmem>>, %arg3: memref<128x128xf32, #tpu.memory_space<vmem>>, %arg4: memref<1x128xf32, #tpu.memory_space<vmem>>, %arg5: memref<2000x128xf32, #tpu.memory_space<vmem>>) attributes {dimension_semantics = [#tpu.dimension_semantics<arbitrary>], iteration_bounds = array<i64: 5>, scalar_prefetch = 0 : i64, scratch_operands = 0 : i64, tpu.core_type = #tpu.core_type<tc>, window_params = [{transform_indices = @transform_0, window_bounds = array<i64: 1, 2000, 64>}, {transform_indices = @transform_1, window_bounds = array<i64: 1, 2000, 64>}, {pipeline_mode = #tpu.pipeline_mode<synchronous>, transform_indices = @transform_2, window_bounds = array<i64: 128, 128>}, {pipeline_mode = #tpu.pipeline_mode<synchronous>, transform_indices = @transform_3, window_bounds = array<i64: 1, 128>}, {transform_indices = @transform_4, window_bounds = array<i64: 2000, 128>}]} {
    %get3A = arith.constant 0 : index
    %get3A_0 = arith.constant 0 : index
    %get3A_1 = arith.constant 0 : index
    %get3A_2 = vector.load %arg1[%get3A, %get3A_0, %get3A_1] : memref<1x2000x64xf32, #tpu.memory_space<vmem>>, vector<1x2000x64xf32>
    %get3A_3 = vector.shape_cast %get3A_2 : vector<1x2000x64xf32> to vector<2000x64xf32>
    %get3A_4 = arith.constant 0 : index
    %get3A_5 = arith.constant 0 : index
    %get3A_6 = vector.load %arg3[%get3A_4, %get3A_5] : memref<128x128xf32, #tpu.memory_space<vmem>>, vector<64x128xf32>
    %dot_general3A = arith.constant dense<0.000000e+00> : vector<2000x128xf32>
    %dot_general3A_7 = tpu.matmul %get3A_3, %get3A_6, %dot_general3A {dimension_numbers = #tpu.dot_dimension_numbers<[1], [0], [0], [1], [0, 0, 1, 1], [], []>, transpose_lhs_hint = false} : vector<2000x64xf32>, vector<64x128xf32>, vector<2000x128xf32> -> vector<2000x128xf32>
    %get3A_8 = arith.constant 0 : index
    %get3A_9 = arith.constant 0 : index
    %get3A_10 = arith.constant 0 : index
    %get3A_11 = vector.load %arg2[%get3A_8, %get3A_9, %get3A_10] : memref<1x2000x64xf32, #tpu.memory_space<vmem>>, vector<1x2000x64xf32>
    %get3A_12 = vector.shape_cast %get3A_11 : vector<1x2000x64xf32> to vector<2000x64xf32>
    %get3A_13 = arith.constant 64 : index
    %get3A_14 = arith.constant 0 : index
    %get3A_15 = vector.load %arg3[%get3A_13, %get3A_14] : memref<128x128xf32, #tpu.memory_space<vmem>>, vector<64x128xf32>
    %dot_general3A_16 = arith.constant dense<0.000000e+00> : vector<2000x128xf32>
    %dot_general3A_17 = tpu.matmul %get3A_12, %get3A_15, %dot_general3A_16 {dimension_numbers = #tpu.dot_dimension_numbers<[1], [0], [0], [1], [0, 0, 1, 1], [], []>, transpose_lhs_hint = false} : vector<2000x64xf32>, vector<64x128xf32>, vector<2000x128xf32> -> vector<2000x128xf32>
    %add3A = arith.addf %dot_general3A_7, %dot_general3A_17 : vector<2000x128xf32>
    %get3A_18 = arith.constant 0 : index
    %get3A_19 = arith.constant 0 : index
    %get3A_20 = vector.load %arg4[%get3A_18, %get3A_19] : memref<1x128xf32, #tpu.memory_space<vmem>>, vector<1x128xf32>
    %add3A_21 = vector.broadcast %get3A_20 : vector<1x128xf32> to vector<2000x128xf32>
    %add3A_22 = arith.addf %add3A, %add3A_21 : vector<2000x128xf32>
    %swap3A = arith.constant 0 : index
    %swap3A_23 = arith.constant 0 : index
    %swap3A_24 = vector.load %arg5[%swap3A, %swap3A_23] : memref<2000x128xf32, #tpu.memory_space<vmem>>, vector<2000x128xf32>
    tpu.vector_store %arg5[%swap3A, %swap3A_23], %add3A_22 {strides = array<i32>} : memref<2000x128xf32, #tpu.memory_space<vmem>>, vector<2000x128xf32>,
    return
  }
  func.func @transform_0(%arg0: i32) -> (i32, i32, i32) {
    %c0_i32 = arith.constant 0 : i32
    %c0_i32_0 = arith.constant 0 : i32
    %c0_i32_1 = arith.constant 0 : i32
    return %c0_i32, %arg0, %c0_i32_0 : i32, i32, i32
  }
  func.func @transform_1(%arg0: i32) -> (i32, i32, i32) {
    %c1_i32 = arith.constant 1 : i32
    %c0_i32 = arith.constant 0 : i32
    %c0_i32_0 = arith.constant 0 : i32
    return %c1_i32, %arg0, %c0_i32 : i32, i32, i32
  }
  func.func @transform_2(%arg0: i32) -> (i32, i32) {
    %c0_i32 = arith.constant 0 : i32
    %c0_i32_0 = arith.constant 0 : i32
    %c0_i32_1 = arith.constant 0 : i32
    return %c0_i32, %c0_i32_0 : i32, i32
  }
  func.func @transform_3(%arg0: i32) -> (i32, i32) {
    %c0_i32 = arith.constant 0 : i32
    %c0_i32_0 = arith.constant 0 : i32
    %c0_i32_1 = arith.constant 0 : i32
    return %c0_i32, %c0_i32_0 : i32, i32
  }
  func.func @transform_4(%arg0: i32) -> (i32, i32) {
    %c0_i32 = arith.constant 0 : i32
    %c0_i32_0 = arith.constant 0 : i32
    return %arg0, %c0_i32 : i32, i32
  }
}

module attributes {stable_mosaic.version = 14 : i64} {
  func.func @_final_body(%arg0: i32, %arg1: memref<1x2000x64xf32, #tpu.memory_space<vmem>>, %arg2: memref<1x2000x64xf32, #tpu.memory_space<vmem>>, %arg3: memref<2000x32xf32, #tpu.memory_space<vmem>>, %arg4: memref<2000x128xf32, #tpu.memory_space<vmem>>, %arg5: memref<128x128xf32, #tpu.memory_space<vmem>>, %arg6: memref<2x128xf32, #tpu.memory_space<vmem>>, %arg7: memref<2xf32, #tpu.memory_space<smem>>, %arg8: memref<2000x1xf32, #tpu.memory_space<vmem>>) attributes {dimension_semantics = [#tpu.dimension_semantics<arbitrary>], iteration_bounds = array<i64: 5>, scalar_prefetch = 0 : i64, scratch_operands = 0 : i64, tpu.core_type = #tpu.core_type<tc>, window_params = [{transform_indices = @transform_0, window_bounds = array<i64: 1, 2000, 64>}, {transform_indices = @transform_1, window_bounds = array<i64: 1, 2000, 64>}, {transform_indices = @transform_2, window_bounds = array<i64: 2000, 32>}, {transform_indices = @transform_3, window_bounds = array<i64: 2000, 128>}, {pipeline_mode = #tpu.pipeline_mode<synchronous>, transform_indices = @transform_4, window_bounds = array<i64: 128, 128>}, {pipeline_mode = #tpu.pipeline_mode<synchronous>, transform_indices = @transform_5, window_bounds = array<i64: 2, 128>}, {transform_indices = @transform_6, window_bounds = array<i64: 2>}, {transform_indices = @transform_7, window_bounds = array<i64: 2000, 1>}]} {
    %get3A = arith.constant 0 : index
    %get3A_0 = arith.constant 0 : index
    %get3A_1 = arith.constant 0 : index
    %get3A_2 = vector.load %arg1[%get3A, %get3A_0, %get3A_1] : memref<1x2000x64xf32, #tpu.memory_space<vmem>>, vector<1x2000x64xf32>
    %get3A_3 = vector.shape_cast %get3A_2 : vector<1x2000x64xf32> to vector<2000x64xf32>
    %get3A_4 = arith.constant 0 : index
    %get3A_5 = arith.constant 0 : index
    %get3A_6 = arith.constant 0 : index
    %get3A_7 = vector.load %arg2[%get3A_4, %get3A_5, %get3A_6] : memref<1x2000x64xf32, #tpu.memory_space<vmem>>, vector<1x2000x64xf32>
    %get3A_8 = vector.shape_cast %get3A_7 : vector<1x2000x64xf32> to vector<2000x64xf32>
    %concatenate3A = tpu.concatenate %get3A_3, %get3A_8 in 1 : vector<2000x64xf32>, vector<2000x64xf32> -> vector<2000x128xf32>
    %get3A_9 = arith.constant 0 : index
    %get3A_10 = arith.constant 0 : index
    %get3A_11 = vector.load %arg3[%get3A_9, %get3A_10] : memref<2000x32xf32, #tpu.memory_space<vmem>>, vector<2000x32xf32>
    %reduce_sum3A = arith.constant dense<0.000000e+00> : vector<2000xf32>
    %reduce_sum3A_12 = vector.multi_reduction <add>, %get3A_11, %reduce_sum3A [1] : vector<2000x32xf32> to vector<2000xf32>
    %broadcast_in_dim3A = vector.shape_cast %reduce_sum3A_12 : vector<2000xf32> to vector<2000x1xf32>
    %max3A = arith.constant 1.000000e+00 : f32
    %max3A_13 = vector.broadcast %max3A : f32 to vector<2000x1xf32>
    %max3A_14 = arith.maximumf %broadcast_in_dim3A, %max3A_13 : vector<2000x1xf32>
    %div3A = vector.broadcast %max3A_14 : vector<2000x1xf32> to vector<2000x128xf32>
    %div3A_15 = arith.divf %concatenate3A, %div3A : vector<2000x128xf32>
    %get3A_16 = arith.constant 0 : index
    %get3A_17 = arith.constant 0 : index
    %get3A_18 = vector.load %arg5[%get3A_16, %get3A_17] : memref<128x128xf32, #tpu.memory_space<vmem>>, vector<128x128xf32>
    %dot_general3A = arith.constant dense<0.000000e+00> : vector<2000x128xf32>
    %dot_general3A_19 = tpu.matmul %div3A_15, %get3A_18, %dot_general3A {dimension_numbers = #tpu.dot_dimension_numbers<[1], [0], [0], [1], [0, 0, 1, 1], [], []>, transpose_lhs_hint = false} : vector<2000x128xf32>, vector<128x128xf32>, vector<2000x128xf32> -> vector<2000x128xf32>
    %get3A_20 = arith.constant 0 : index
    %get3A_21 = arith.constant 0 : index
    %get3A_22 = vector.load %arg4[%get3A_20, %get3A_21] : memref<2000x128xf32, #tpu.memory_space<vmem>>, vector<2000x128xf32>
    %add3A = arith.addf %dot_general3A_19, %get3A_22 : vector<2000x128xf32>
    %max3A_23 = arith.constant 0.000000e+00 : f32
    %max3A_24 = vector.broadcast %max3A_23 : f32 to vector<2000x128xf32>
    %max3A_25 = arith.maximumf %add3A, %max3A_24 : vector<2000x128xf32>
    %get3A_26 = arith.constant 1 : index
    %get3A_27 = arith.constant 0 : index
    %get3A_28 = vector.load %arg6[%get3A_26, %get3A_27] : memref<2x128xf32, #tpu.memory_space<vmem>>, vector<1x128xf32>
    %get3A_29 = arith.constant 0 : index
    %get3A_30 = arith.constant 0 : index
    %get3A_31 = vector.load %arg6[%get3A_29, %get3A_30] : memref<2x128xf32, #tpu.memory_space<vmem>>, vector<1x128xf32>
    %sub3A = arith.subf %get3A_28, %get3A_31 : vector<1x128xf32>
    %mul3A = vector.broadcast %sub3A : vector<1x128xf32> to vector<2000x128xf32>
    %mul3A_32 = arith.mulf %max3A_25, %mul3A : vector<2000x128xf32>
    %reduce_sum3A_33 = arith.constant dense<0.000000e+00> : vector<2000xf32>
    %reduce_sum3A_34 = vector.multi_reduction <add>, %mul3A_32, %reduce_sum3A_33 [1] : vector<2000x128xf32> to vector<2000xf32>
    %broadcast_in_dim3A_35 = vector.shape_cast %reduce_sum3A_34 : vector<2000xf32> to vector<2000x1xf32>
    %get3A_36 = arith.constant 1 : index
    %get3A_37 = memref.load %arg7[%get3A_36] : memref<2xf32, #tpu.memory_space<smem>>
    %get3A_38 = arith.constant 0 : index
    %get3A_39 = memref.load %arg7[%get3A_38] : memref<2xf32, #tpu.memory_space<smem>>
    %sub3A_40 = arith.subf %get3A_37, %get3A_39 : f32
    %add3A_41 = vector.broadcast %sub3A_40 : f32 to vector<2000x1xf32>
    %add3A_42 = arith.addf %broadcast_in_dim3A_35, %add3A_41 : vector<2000x1xf32>
    %neg3A = arith.constant 0.000000e+00 : f32
    %neg3A_43 = vector.broadcast %neg3A : f32 to vector<2000x1xf32>
    %neg3A_44 = arith.subf %neg3A_43, %add3A_42 : vector<2000x1xf32>
    %exp3A = math.exp %neg3A_44 : vector<2000x1xf32>
    %add3A_45 = arith.constant 1.000000e+00 : f32
    %add3A_46 = vector.broadcast %add3A_45 : f32 to vector<2000x1xf32>
    %add3A_47 = arith.addf %add3A_46, %exp3A : vector<2000x1xf32>
    %div3A_48 = arith.constant 1.000000e+00 : f32
    %div3A_49 = vector.broadcast %div3A_48 : f32 to vector<2000x1xf32>
    %div3A_50 = arith.divf %div3A_49, %add3A_47 : vector<2000x1xf32>
    %swap3A = arith.constant 0 : index
    %swap3A_51 = arith.constant 0 : index
    %swap3A_52 = vector.load %arg8[%swap3A, %swap3A_51] : memref<2000x1xf32, #tpu.memory_space<vmem>>, vector<2000x1xf32>
    tpu.vector_store %arg8[%swap3A, %swap3A_51], %div3A_50 {strides = array<i32>} : memref<2000x1xf32, #tpu.memory_space<vmem>>, vector<2000x1xf32>,
    return
  }
  func.func @transform_0(%arg0: i32) -> (i32, i32, i32) {
    %c0_i32 = arith.constant 0 : i32
    %c0_i32_0 = arith.constant 0 : i32
    %c0_i32_1 = arith.constant 0 : i32
    return %c0_i32, %arg0, %c0_i32_0 : i32, i32, i32
  }
  func.func @transform_1(%arg0: i32) -> (i32, i32, i32) {
    %c1_i32 = arith.constant 1 : i32
    %c0_i32 = arith.constant 0 : i32
    %c0_i32_0 = arith.constant 0 : i32
    return %c1_i32, %arg0, %c0_i32 : i32, i32, i32
  }
  func.func @transform_2(%arg0: i32) -> (i32, i32) {
    %c0_i32 = arith.constant 0 : i32
    %c0_i32_0 = arith.constant 0 : i32
    return %arg0, %c0_i32 : i32, i32
  }
  func.func @transform_3(%arg0: i32) -> (i32, i32) {
    %c0_i32 = arith.constant 0 : i32
    %c0_i32_0 = arith.constant 0 : i32
    return %arg0, %c0_i32 : i32, i32
  }
  func.func @transform_4(%arg0: i32) -> (i32, i32) {
    %c0_i32 = arith.constant 0 : i32
    %c0_i32_0 = arith.constant 0 : i32
    %c0_i32_1 = arith.constant 0 : i32
    return %c0_i32, %c0_i32_0 : i32, i32
  }
  func.func @transform_5(%arg0: i32) -> (i32, i32) {
    %c0_i32 = arith.constant 0 : i32
    %c0_i32_0 = arith.constant 0 : i32
    %c0_i32_1 = arith.constant 0 : i32
    return %c0_i32, %c0_i32_0 : i32, i32
  }
  func.func @transform_6(%arg0: i32) -> i32 {
    %c0_i32 = arith.constant 0 : i32
    %c0_i32_0 = arith.constant 0 : i32
    return %c0_i32 : i32
  }
  func.func @transform_7(%arg0: i32) -> (i32, i32) {
    %c0_i32 = arith.constant 0 : i32
    %c0_i32_0 = arith.constant 0 : i32
    return %arg0, %c0_i32 : i32, i32
  }
}

</mosaic_0001>

<sc_bundles>
// kernel: kernel.12.cloned.1.call-start
scs
__scs_entry_jumppad:
0x0: {  	(pc) =	sbr.rel $0x88, $3  }
0x1: {  	(tag) =	ssettag $0x0;
	lr =	simm.s32 $0x1  }
0x2: {  	[smem:$0x3F97] =	sst lr;
	_ =	strace $0xD0000000  }
0x3: {  	_ = 	snop  }
0x4: {  	_ = 	snop  }
0x5: {  	_ = 	snop  }
0x6: {  	_ = 	snop  }
0x7: {  	_ = 	snop  }
__scs_overlays_trampoline_lowered:
0x8: {  	[smem:$0x3FA6] =	sst s0  }
0x9: {  	[smem:$0x3FA7] =	sst s1  }
0xa: {  	[smem:$0x3FA8] =	sst s2  }
0xb: {  	[smem:$0x3FA9] =	sst s3  }
0xc: {  	[smem:$0x3FAA] =	sst s4  }
0xd: {  	[smem:$0x3FAB] =	sst s5  }
0xe: {  	[smem:$0x3FAC] =	sst s6  }
0xf: {  	[smem:$0x3FAD] =	sst s7  }
0x10: {  	[smem:$0x3FAE] =	sst s8  }
0x11: {  	[smem:$0x3FAF] =	sst s9;
	s0 =	simm.s32 @!p0 $0x0  }
0x12: {  	s1 =	sld [smem:$0x3F95];
	s0 =	simm.s32 @p0 $0x1  }
0x13: {  	[smem:$0x3FB0] =	sst s0;
	s0 =	simm.s32 @!p1 $0x0  }
0x14: {  	s2 =	sld [smem:$0x3F94];
	s0 =	simm.s32 @p1 $0x1  }
0x15: {  	[smem:$0x3FB1] =	sst s0;
	s0 =	simm.s32 @!p2 $0x0  }
0x16: {  	s3 =	sld [smem:$0x3FDB];
	s0 =	simm.s32 @p2 $0x1  }
0x17: {  	s4 =	simm.s32 $0x1BF5;
	[smem:$0x3FB3] =	sst s0  }
0x18: {  	s0 =	sld [smem:$0x3F96];
	_ =	swait.ge [sflag:s4], $0x0  }
0x19: {  	s7 =	sld [smem:$0x3F97]  }
0x1a: {  	s8 =	sadd.s32 $0xFFFFE003, lr  }
0x1b: {  	s9 =	sadd.s32 $0xFFFFFEF7, lr;
	s5 =	simm.s32 $0xFFFFFFFF;
	p2 =	slt.u32 s8, $0xFFFFF086  }
0x1c: {  	p1 =	slt.u32 s9, $0xF7A;
	s5 =	simm.s32 @!p2 $0x0  }
0x1d: {  	s5 =	simm.s32 @p1 $0x1;
	p0 =	seq.s32 s7, s2  }
0x1e: {  	s7 =	smul.u32 @!p0 $0xF7A, s2;
	p2 =	seq.s32 @!p0 s5, $0x0  }
0x1f: {  	s9 =	smul.u32 $0xF7A, s1;
	s8 =	simm.s32 @!p0 $0x1BF5;
	p2 =	por !p2, p0  }
0x20: {  	[sflag:s8] =	ssyncset.s32 @!p0 $0xFFFFF086;
	s6 =	sadd.s32 @!p0 s3, s7;
	s7 =	simm.s32 @!p0 $0x108  }
0x21: {  	s3 =	sadd.s32 s3, s9;
	s6 =	sadd.s32 @!p0 $0x88, s6;
	s7 =	simm.s32 @p2 $0x1082  }
0x22: {  	[simem:s7], [sflag:s8] =	dma.local @!p0 [hbm:s6], $0xF7A  }
0x23: {  	s9 =	sor.u32 $0xD0000000, s2;
	s6 =	simm.s32 $0x108;
	_ =	swait.ge @!p0 [sflag:s8], $0x0  }
0x24: {  	s3 =	sadd.s32 $0x88, s3;
	s6 =	simm.s32 @!p1 $0x1082;
	[sflag:s4] =	ssyncset.s32 $0xFFFFF086  }
0x25: {  	[simem:s6], [sflag:s4] =	dma.local [hbm:s3], $0xF7A  }
0x26: {  	[smem:$0x3F97] =	sst s1;
	(tag) =	ssettag s2;
	_ =	strace s9  }
0x27: {  	s1 =	sld [smem:$0x3FA7]  }
0x28: {  	s2 =	sld [smem:$0x3FA8]  }
0x29: {  	s4 =	sld [smem:$0x3FAA]  }
0x2a: {  	p0 =	seq.s32 s5, $0x0;
	s5 =	sld [smem:$0x3FAB]  }
0x2b: {  	s6 =	sld [smem:$0x3FAC]  }
0x2c: {  	s7 =	sld [smem:$0x3FAD]  }
0x2d: {  	s3 =	simm.s32 $0x108;
	s8 =	sld [smem:$0x3FAE]  }
0x2e: {  	s3 =	simm.s32 @!p0 $0x1082;
	s9 =	sld [smem:$0x3FAF]  }
0x2f: {  	lr =	sadd.s32 s0, s3;
	s0 =	sld [smem:$0x3FA6]  }
0x30: {  	s3 =	sld [smem:$0x3FA9]  }
0x31: {  	[smem:$0x3FB2] =	sst s10  }
0x32: {  	s10 =	sld [smem:$0x3FB0];
	_ =	sdelay $0x3  }
0x33: {  	p0 =	seq.s32 s10, $0x1;
	s10 =	sld [smem:$0x3FB2];
	_ =	sdelay $0x3  }
0x34: {  	[smem:$0x3FB2] =	sst s10  }
0x35: {  	s10 =	sld [smem:$0x3FB1];
	_ =	sdelay $0x3  }
0x36: {  	p1 =	seq.s32 s10, $0x1;
	s10 =	sld [smem:$0x3FB2];
	_ =	sdelay $0x3  }
0x37: {  	[smem:$0x3FB2] =	sst s10  }
0x38: {  	s10 =	sld [smem:$0x3FB3]  }
0x39: {  	_ = 	snop;
	(pc) =	sbr.ind lr, $3  }
0x3a: {  	_ = 	snop  }
0x3b: {  	_ = 	snop  }
0x3c: {  	p2 =	seq.s32 s10, $0x1;
	s10 =	sld [smem:$0x3FB2]  }
0x3d: {  	_ =	shalt  }
0x3e: {  	_ =	shalt  }
0x3f: {  	_ =	shalt  }
0x40: {  	_ =	shalt  }
0x41: {  	_ =	shalt  }
0x42: {  	_ =	shalt  }
0x43: {  	_ =	shalt  }
0x44: {  	_ =	shalt  }
0x45: {  	_ =	shalt  }
0x46: {  	_ =	shalt  }
0x47: {  	_ =	shalt  }
0x48: {  	_ =	shalt  }
0x49: {  	_ =	shalt  }
0x4a: {  	_ =	shalt  }
0x4b: {  	_ =	shalt  }
0x4c: {  	_ =	shalt  }
0x4d: {  	_ =	shalt  }
0x4e: {  	_ =	shalt  }
0x4f: {  	_ =	shalt  }
0x50: {  	_ =	shalt  }
0x51: {  	_ =	shalt  }
0x52: {  	_ =	shalt  }
0x53: {  	_ =	shalt  }
0x54: {  	_ =	shalt  }
0x55: {  	_ =	shalt  }
0x56: {  	_ =	shalt  }
0x57: {  	_ =	shalt  }
0x58: {  	_ =	shalt  }
0x59: {  	_ =	shalt  }
0x5a: {  	_ =	shalt  }
0x5b: {  	_ =	shalt  }
0x5c: {  	_ =	shalt  }
0x5d: {  	_ =	shalt  }
0x5e: {  	_ =	shalt  }
0x5f: {  	_ =	shalt  }
0x60: {  	_ =	shalt  }
0x61: {  	_ =	shalt  }
0x62: {  	_ =	shalt  }
0x63: {  	_ =	shalt  }
0x64: {  	_ =	shalt  }
0x65: {  	_ =	shalt  }
0x66: {  	_ =	shalt  }
0x67: {  	_ =	shalt  }
0x68: {  	_ =	shalt  }
0x69: {  	_ =	shalt  }
0x6a: {  	_ =	shalt  }
0x6b: {  	_ =	shalt  }
0x6c: {  	_ =	shalt  }
0x6d: {  	_ =	shalt  }
0x6e: {  	_ =	shalt  }
0x6f: {  	_ =	shalt  }
0x70: {  	_ =	shalt  }
0x71: {  	_ =	shalt  }
0x72: {  	_ =	shalt  }
0x73: {  	_ =	shalt  }
0x74: {  	_ =	shalt  }
0x75: {  	_ =	shalt  }
0x76: {  	_ =	shalt  }
0x77: {  	_ =	shalt  }
0x78: {  	_ =	shalt  }
0x79: {  	_ =	shalt  }
0x7a: {  	_ =	shalt  }
0x7b: {  	_ =	shalt  }
0x7c: {  	_ =	shalt  }
0x7d: {  	_ =	shalt  }
0x7e: {  	_ =	shalt  }
0x7f: {  	_ =	shalt  }
0x80: {  	_ =	shalt  }
0x81: {  	_ =	shalt  }
0x82: {  	_ =	shalt  }
0x83: {  	_ =	shalt  }
0x84: {  	_ =	shalt  }
0x85: {  	_ =	shalt  }
0x86: {  	_ =	shalt  }
0x87: {  	_ =	shalt  }
.Lfunc_end0:
.L_simem_size_0:
called_computation.1_lowered:
.L_overlay_start_0:
0x88: {  	s2 =	sld [smem:$0x3FD9]  }
0x89: {  	s3 =	sld [smem:$0x3FFE];
	_ =	sdelay $0x1  }
0x8a: {  	s1 =	srdreg.scid  }
0x8b: {  	s0 =	sand.u32 $0x1, s1  }
0x8c: {  	s16 =	sshll.u32 s0, $0xA;
	s2 =	sadd.s32 s3, s2  }
0x8d: {  	s2 =	sadd.s32 s2, s16  }
0x8e: {  	[smem:$0x3FBE] =	sst s2  }
0x8f: {  	_ = 	snop  }
0x90: {  	(tm) =	ssettm $0x1  }
0x91: {  	s17 =	sld [smem:$0x3FFB];
	_ =	sdelay $0x3  }
0x92: {  	_ =	strace s17  }
0x93: {  	s2 =	sld [smem:$0x3FFC];
	_ =	sdelay $0x3  }
0x94: {  	_ =	strace s2  }
0x95: {  	s2 =	sld [smem:$0x3FFD];
	_ =	sdelay $0x3  }
0x96: {  	_ =	strace s2  }
0x97: {  	_ =	strace $0x8FFFFFFF  }
0x98: {  	s18 =	sld [smem:$0x3FDB];
	_ =	sdelay $0x1  }
0x99: {  	s19 =	simm.s32 $_scs_section_size  }
0x9a: {  	s4 =	simm.s32 $_size__tile_overlayer_lowered;
	s5 =	simm.s32 $_tile_overlayer_lowered  }
0x9b: {  	s22 =	simm.s32 $0x1BFF;
	s21 =	sshll.u32 s5, $0x1;
	s2 =	sadd.s32 s19, s18  }
0x9c: {  	s6 =	simm.s32 $0x0;
	s20 =	sshll.u32 s4, $0x1;
	s4 =	sadd.s32 s21, s2  }
0x9d: {  	[timem:s6], [sflag:s22] =	dma.local [hbm:s4], s20  }
0x9e: {  	_ =	swait.ge [sflag:s22], s20  }
0x9f: {  	s3 =	ssub.s32 $0x0, s20;
	[sflag:s22] =	ssyncset.done $0x0  }
0xa0: {  	[sflag:s22] =	ssyncadd.s32 s3;
	_ =	sdelay $0x1  }
0xa1: {  	s23 =	simm.s32 $0x1B8B  }
0xa2: {  	_ =	swait.ge [sflag:s23], $0x1  }
0xa3: {  	[sflag:s23] =	ssyncset.done $0x0  }
0xa4: {  	s25 =	simm.s32 $0x1B8E;
	s24 =	sld [smem:$0x3FFE];
	[sflag:s23] =	ssyncadd.s32 $0xFFFFFFFF  }
0xa5: {  	s26 =	simm.s32 $execute0_lowered;
	[smem:$0x3FD2] =	sst s25  }
0xa6: {  	s4 =	sshll.u32 s26, $0x1;
	_ =	strace $0x80000046;
	[dreg:$0x1] =	wrdreg $0xFFFFFFFF  }
0xa7: {  	s28 =	simm.s32 $_size_execute0_lowered;
	s2 =	sadd.s32 s2, s4;
	[dreg:$0x0] =	wrdreg $0x0  }
0xa8: {  	s4 =	sshll.u32 s28, $0x1;
	[dreg:$0x2] =	wrdreg s2  }
0xa9: {  	[dreg:$0x3] =	wrdreg s4  }
0xaa: {  	[dreg:$0x4] =	wrdreg $0xC0  }
0xab: {  	_ =	task [dreg:s6], $0x5FFFF  }
0xac: {  	[dreg:$0x1] =	wrdreg $0xFFFFFFFF  }
0xad: {  	[dreg:$0x0] =	wrdreg $0x60  }
0xae: {  	[dreg:$0x2] =	wrdreg s24  }
0xaf: {  	[dreg:$0x3] =	wrdreg $0xA  }
0xb0: {  	_ =	task.clear_ibuf [dreg:s6], $0x4FFFF;
	_ =	strace $0x90000046  }
0xb1: {  	s29 =	simm.s32 $0xA;
	_ =	strace $0x80000048  }
0xb2: {  	_ =	swait.ge [sflag:s29], $0x1  }
0xb3: {  	[sflag:s29] =	ssyncadd.s32 $0xFFFFFFFF  }
0xb4: {  	_ =	strace $0x90000048  }
0xb5: {  	_ =	sfence  }
0xb6: {  	s30 =	sld [smem:$0x0];
	_ =	sdelay $0x2  }
0xb7: {  	s31 =	sshll.u32 s1, $0xD;
	s1 =	sshrl.u32 s1, $0x2  }
0xb8: {  	s3 =	sand.u32 $0x4000, s31;
	s1 =	sadd.s32 s1, s30  }
0xb9: {  	s0 =	sor.u32 s3, s0;
	s1 =	sshll.u32 s1, $0x11  }
0xba: {  	s0 =	sor.u32 s1, s0  }
0xbb: {  	s0 =	sadd.s32 $0x8F2B, s0  }
0xbc: {  	[sflag:s0] =	ssyncadd.remote.s32 $0x1  }
0xbd: {  	_ =	sfence.sel $0xFFFF  }
0xbe: {  	[dreg:$0x0] =	wrdreg $0xFFFFFFFF;
	(pc) =	sbr.abs _section_cstart, $3  }
0xbf: {  	[dreg:$0x1] =	wrdreg $0xFFFFFFFF  }
0xc0: {  	_ =	task.clear_ibuf [dreg:s6], $0x2FFFF;
	_ =	strace $0x9FFFFFFF  }
0xc1: {  	(tm) =	ssettm $0x7FFFFFFF  }
tec
execute0_lowered:
.L_overlay_start_1:
0x0: {  	(tag) =	ssettag $0x1  }
0x1: {  	s0 =	srdreg.scid;
	s4 =	rddreg [dreg:$0x0]  }
0x2: {  	s2 =	simm.s32 $0x0;
	s3 =	sand.u32 $0x1, s0;
	s0 =	stileid.u32  }
0x3: {  	[smem:$0x7FF] =	sst s2;
	s5 =	smul.u32 $0x9E0, s0  }
0x4: {  	s1 =	sshll.u32 s3, $0x4;
	s7 =	ssub.s32 $0x2, s3;
	s3 =	smul.u32 $0x4F0, s3  }
0x5: {  	s6 =	sor.u32 s0, s1;
	s1 =	rddreg [dreg:$0x1];
	_ =	strace $0x80000047  }
0x6: {  	s8 =	sshrl.u32 s7, $0x1;
	s6 =	smul.u32 $0x4F0, s6;
	s5 =	sadd.s32 s5, s4  }
0x7: {  	s31 =	ssub.s32 s7, s8;
	s7 =	simm.s32 $0x2780;
	s8 =	simm.s32 $0x0  }
0x8: {  	s3 =	sadd.s32 s3, s5;
	s5 =	smax.u32 s31, $0x1;
	s4 =	sadd.s32 s6, s4  }
0x9: {  	v0 =	vimm.f32 $0.0e+00;
	v1 =	vimm.f32 $1.000000000e+00;
	s3 =	sadd.s32 $0x1800, s3;
	s6 =	simm.s32 $0x1;
	s4 =	sadd.s32 $0xB600, s4  }
.LBB2_1:
0xa: {  	[tilespmem:s2], [sflag:$0x1] =	stream.linear.gather [hbm4b:s3+s2], $0x2780, $0x38;
	[tilespmem:$0x4F00] =	vst v63  }
0xb: {  	_ =	swait.ge [sflag:s6], $0x2780  }
0xc: {  	[sflag:s6] =	ssyncset.done $0x0  }
0xd: {  	s9 =	simm.s32 $0x0;
	[sflag:s6] =	ssyncadd.s32 $0xFFFFD880  }
.LBB2_2:
0xe: {  	p0 =	sne.s32 s9, $0x9DC0  }
.Ltmp0:
0xf: {  	_ = 	snop;
	(pc) =	sbr.rel @p0 .LBB2_2-.Ltmp0, $3  }
0x10: {  	_ =	sdelay $0x1  }
0x11: {  	s10 =	sshra.s32 s9, $0x2  }
0x12: {  	s9 =	sadd.s32 $0x40, s9;
	[tilespmem:s10+$0x2780] =	vst v0  }
0x13: {  	s9 =	simm.s32 $0x1C0  }
.LBB2_4:
0x14: {  	s10 =	sshra.s32 s9, $0x2  }
0x15: {  	v2 =	vld [tilespmem:s10+$0xFFFFFF90];
	_ =	sdelay $0x4  }
0x16: {  	v2 =	vshrl.u32 v2, $0xE;
	_ =	sdelay $0x4  }
0x17: {  	[tilespmem:v2+s7+$0x0] =	vst.idx.add.f32.msk $0xffff, v1  }
0x18: {  	v2 =	vld [tilespmem:s10+$0xFFFFFFA0];
	_ =	sdelay $0x4  }
0x19: {  	v2 =	vshrl.u32 v2, $0xE;
	_ =	sdelay $0x4  }
0x1a: {  	[tilespmem:v2+s7+$0x0] =	vst.idx.add.f32.msk $0xffff, v1  }
0x1b: {  	v2 =	vld [tilespmem:s10+$0xFFFFFFB0];
	_ =	sdelay $0x4  }
0x1c: {  	v2 =	vshrl.u32 v2, $0xE;
	_ =	sdelay $0x4  }
0x1d: {  	[tilespmem:v2+s7+$0x0] =	vst.idx.add.f32.msk $0xffff, v1  }
0x1e: {  	v2 =	vld [tilespmem:s10+$0xFFFFFFC0];
	_ =	sdelay $0x4  }
0x1f: {  	v2 =	vshrl.u32 v2, $0xE;
	_ =	sdelay $0x4  }
0x20: {  	[tilespmem:v2+s7+$0x0] =	vst.idx.add.f32.msk $0xffff, v1  }
0x21: {  	v2 =	vld [tilespmem:s10+$0xFFFFFFD0];
	_ =	sdelay $0x4  }
0x22: {  	v2 =	vshrl.u32 v2, $0xE;
	_ =	sdelay $0x4  }
0x23: {  	[tilespmem:v2+s7+$0x0] =	vst.idx.add.f32.msk $0xffff, v1  }
0x24: {  	v2 =	vld [tilespmem:s10+$0xFFFFFFE0];
	_ =	sdelay $0x4  }
0x25: {  	v2 =	vshrl.u32 v2, $0xE;
	_ =	sdelay $0x4  }
0x26: {  	[tilespmem:v2+s7+$0x0] =	vst.idx.add.f32.msk $0xffff, v1  }
0x27: {  	v2 =	vld [tilespmem:s10+$0xFFFFFFF0];
	_ =	sdelay $0x4  }
0x28: {  	v2 =	vshrl.u32 v2, $0xE;
	_ =	sdelay $0x4  }
0x29: {  	[tilespmem:v2+s7+$0x0] =	vst.idx.add.f32.msk $0xffff, v1  }
0x2a: {  	v2 =	vld [tilespmem:s10+$0x0];
	_ =	sdelay $0x4  }
0x2b: {  	p0 =	sne.s32 s9, $0x9DC0;
	v2 =	vshrl.u32 v2, $0xE  }
.Ltmp1:
0x2c: {  	_ = 	snop;
	(pc) =	sbr.rel @p0 .LBB2_4-.Ltmp1, $2  }
0x2d: {  	_ =	sdelay $0x2  }
0x2e: {  	s9 =	sadd.s32 $0x200, s9;
	[tilespmem:v2+s7+$0x0] =	vst.idx.add.f32.msk $0xffff, v1  }
0x2f: {  	s8 =	sadd.s32 $0x1, s8  }
0x30: {  	p0 =	sne.s32 s8, s5  }
.Ltmp2:
0x31: {  	_ = 	snop;
	(pc) =	sbr.rel @p0 .LBB2_1-.Ltmp2, $4  }
0x32: {  	[hbm4b:s4+s2] =	stream.linear.scatter [tilespmem:s7], [sflag:$0x1], $0x2780, $0x38;
	[tilespmem:$0x4F00] =	vst v63  }
0x33: {  	_ =	swait.ge [sflag:s6], $0x2780  }
0x34: {  	[sflag:s6] =	ssyncset.done $0x0  }
0x35: {  	[sflag:s6] =	ssyncadd.s32 $0xFFFFD880  }
0x36: {  	_ =	sfence.sel $0x180000  }
0x37: {  	[bflag:$0x0] =	sbarrier.arrive $0xFFFF  }
0x38: {  	p0 =	sne.s32 s0, $0x0;
	_ =	strace $0x90000047  }
0x39: {  	s0 =	sadd.s32 @!p0 $0x100000, s1;
	[bflag:$0x2] =	sbarrier.arrive $0xFFFF  }
0x3a: {  	[sflag:s0] =	ssyncadd.tile.s32 @!p0 $0x1;
	_ =	shalt  }
.Lfunc_end2:
_tile_overlayer_lowered:
.L_overlay_start_2:
0x3b: {  	(tag) =	ssettag $0x2  }
0x3c: {  	s0 =	rddreg [dreg:$0x0];
	s2 =	stileid.u32  }
0x3d: {  	s1 =	rddreg [dreg:$0x1];
	p0 =	sne.s32 s2, $0x0  }
0x3e: {  	s3 =	rddreg [dreg:$0x2];
	[bflag:$0x3] =	sbarrier.arrive $0xFFFF;
	s2 =	simm.s32 @!p0 $0x1C01  }
0x3f: {  	[timem:s3], [sflag:s2] =	dma.local @!p0 [hbm:s0], s1  }
0x40: {  	s0 =	simm.s32 @!p0 $0x1  }
0x41: {  	_ =	swait.ge @!p0 [sflag:s0], s1  }
0x42: {  	s1 =	ssub.s32 @!p0 $0x0, s1;
	[sflag:s0] =	ssyncset.done @!p0 $0x0  }
0x43: {  	[sflag:s0] =	ssyncadd.s32 @!p0 s1  }
0x44: {  	[bflag:$0x3] =	sbarrier.arrive $0xFFFF  }
0x45: {  	_ =	shalt  }

// kernel: kernel.15.cloned.1.call-start
scs
__scs_entry_jumppad:
0x0: {  	(pc) =	sbr.rel $0x88, $3  }
0x1: {  	(tag) =	ssettag $0x0;
	lr =	simm.s32 $0x1  }
0x2: {  	[smem:$0x3F97] =	sst lr;
	_ =	strace $0xD0000000  }
0x3: {  	_ = 	snop  }
0x4: {  	_ = 	snop  }
0x5: {  	_ = 	snop  }
0x6: {  	_ = 	snop  }
0x7: {  	_ = 	snop  }
__scs_overlays_trampoline_lowered:
0x8: {  	[smem:$0x3FA6] =	sst s0  }
0x9: {  	[smem:$0x3FA7] =	sst s1  }
0xa: {  	[smem:$0x3FA8] =	sst s2  }
0xb: {  	[smem:$0x3FA9] =	sst s3  }
0xc: {  	[smem:$0x3FAA] =	sst s4  }
0xd: {  	[smem:$0x3FAB] =	sst s5  }
0xe: {  	[smem:$0x3FAC] =	sst s6  }
0xf: {  	[smem:$0x3FAD] =	sst s7  }
0x10: {  	[smem:$0x3FAE] =	sst s8  }
0x11: {  	[smem:$0x3FAF] =	sst s9;
	s0 =	simm.s32 @!p0 $0x0  }
0x12: {  	s1 =	sld [smem:$0x3F95];
	s0 =	simm.s32 @p0 $0x1  }
0x13: {  	[smem:$0x3FB0] =	sst s0;
	s0 =	simm.s32 @!p1 $0x0  }
0x14: {  	s2 =	sld [smem:$0x3F94];
	s0 =	simm.s32 @p1 $0x1  }
0x15: {  	[smem:$0x3FB1] =	sst s0;
	s0 =	simm.s32 @!p2 $0x0  }
0x16: {  	s3 =	sld [smem:$0x3FDB];
	s0 =	simm.s32 @p2 $0x1  }
0x17: {  	s4 =	simm.s32 $0x1BF5;
	[smem:$0x3FB3] =	sst s0  }
0x18: {  	s0 =	sld [smem:$0x3F96];
	_ =	swait.ge [sflag:s4], $0x0  }
0x19: {  	s7 =	sld [smem:$0x3F97]  }
0x1a: {  	s8 =	sadd.s32 $0xFFFFE003, lr  }
0x1b: {  	s9 =	sadd.s32 $0xFFFFFEF7, lr;
	s5 =	simm.s32 $0xFFFFFFFF;
	p2 =	slt.u32 s8, $0xFFFFF086  }
0x1c: {  	p1 =	slt.u32 s9, $0xF7A;
	s5 =	simm.s32 @!p2 $0x0  }
0x1d: {  	s5 =	simm.s32 @p1 $0x1;
	p0 =	seq.s32 s7, s2  }
0x1e: {  	s7 =	smul.u32 @!p0 $0xF7A, s2;
	p2 =	seq.s32 @!p0 s5, $0x0  }
0x1f: {  	s9 =	smul.u32 $0xF7A, s1;
	s8 =	simm.s32 @!p0 $0x1BF5;
	p2 =	por !p2, p0  }
0x20: {  	[sflag:s8] =	ssyncset.s32 @!p0 $0xFFFFF086;
	s6 =	sadd.s32 @!p0 s3, s7;
	s7 =	simm.s32 @!p0 $0x108  }
0x21: {  	s3 =	sadd.s32 s3, s9;
	s6 =	sadd.s32 @!p0 $0x88, s6;
	s7 =	simm.s32 @p2 $0x1082  }
0x22: {  	[simem:s7], [sflag:s8] =	dma.local @!p0 [hbm:s6], $0xF7A  }
0x23: {  	s9 =	sor.u32 $0xD0000000, s2;
	s6 =	simm.s32 $0x108;
	_ =	swait.ge @!p0 [sflag:s8], $0x0  }
0x24: {  	s3 =	sadd.s32 $0x88, s3;
	s6 =	simm.s32 @!p1 $0x1082;
	[sflag:s4] =	ssyncset.s32 $0xFFFFF086  }
0x25: {  	[simem:s6], [sflag:s4] =	dma.local [hbm:s3], $0xF7A  }
0x26: {  	[smem:$0x3F97] =	sst s1;
	(tag) =	ssettag s2;
	_ =	strace s9  }
0x27: {  	s1 =	sld [smem:$0x3FA7]  }
0x28: {  	s2 =	sld [smem:$0x3FA8]  }
0x29: {  	s4 =	sld [smem:$0x3FAA]  }
0x2a: {  	p0 =	seq.s32 s5, $0x0;
	s5 =	sld [smem:$0x3FAB]  }
0x2b: {  	s6 =	sld [smem:$0x3FAC]  }
0x2c: {  	s7 =	sld [smem:$0x3FAD]  }
0x2d: {  	s3 =	simm.s32 $0x108;
	s8 =	sld [smem:$0x3FAE]  }
0x2e: {  	s3 =	simm.s32 @!p0 $0x1082;
	s9 =	sld [smem:$0x3FAF]  }
0x2f: {  	lr =	sadd.s32 s0, s3;
	s0 =	sld [smem:$0x3FA6]  }
0x30: {  	s3 =	sld [smem:$0x3FA9]  }
0x31: {  	[smem:$0x3FB2] =	sst s10  }
0x32: {  	s10 =	sld [smem:$0x3FB0];
	_ =	sdelay $0x3  }
0x33: {  	p0 =	seq.s32 s10, $0x1;
	s10 =	sld [smem:$0x3FB2];
	_ =	sdelay $0x3  }
0x34: {  	[smem:$0x3FB2] =	sst s10  }
0x35: {  	s10 =	sld [smem:$0x3FB1];
	_ =	sdelay $0x3  }
0x36: {  	p1 =	seq.s32 s10, $0x1;
	s10 =	sld [smem:$0x3FB2];
	_ =	sdelay $0x3  }
0x37: {  	[smem:$0x3FB2] =	sst s10  }
0x38: {  	s10 =	sld [smem:$0x3FB3]  }
0x39: {  	_ = 	snop;
	(pc) =	sbr.ind lr, $3  }
0x3a: {  	_ = 	snop  }
0x3b: {  	_ = 	snop  }
0x3c: {  	p2 =	seq.s32 s10, $0x1;
	s10 =	sld [smem:$0x3FB2]  }
0x3d: {  	_ =	shalt  }
0x3e: {  	_ =	shalt  }
0x3f: {  	_ =	shalt  }
0x40: {  	_ =	shalt  }
0x41: {  	_ =	shalt  }
0x42: {  	_ =	shalt  }
0x43: {  	_ =	shalt  }
0x44: {  	_ =	shalt  }
0x45: {  	_ =	shalt  }
0x46: {  	_ =	shalt  }
0x47: {  	_ =	shalt  }
0x48: {  	_ =	shalt  }
0x49: {  	_ =	shalt  }
0x4a: {  	_ =	shalt  }
0x4b: {  	_ =	shalt  }
0x4c: {  	_ =	shalt  }
0x4d: {  	_ =	shalt  }
0x4e: {  	_ =	shalt  }
0x4f: {  	_ =	shalt  }
0x50: {  	_ =	shalt  }
0x51: {  	_ =	shalt  }
0x52: {  	_ =	shalt  }
0x53: {  	_ =	shalt  }
0x54: {  	_ =	shalt  }
0x55: {  	_ =	shalt  }
0x56: {  	_ =	shalt  }
0x57: {  	_ =	shalt  }
0x58: {  	_ =	shalt  }
0x59: {  	_ =	shalt  }
0x5a: {  	_ =	shalt  }
0x5b: {  	_ =	shalt  }
0x5c: {  	_ =	shalt  }
0x5d: {  	_ =	shalt  }
0x5e: {  	_ =	shalt  }
0x5f: {  	_ =	shalt  }
0x60: {  	_ =	shalt  }
0x61: {  	_ =	shalt  }
0x62: {  	_ =	shalt  }
0x63: {  	_ =	shalt  }
0x64: {  	_ =	shalt  }
0x65: {  	_ =	shalt  }
0x66: {  	_ =	shalt  }
0x67: {  	_ =	shalt  }
0x68: {  	_ =	shalt  }
0x69: {  	_ =	shalt  }
0x6a: {  	_ =	shalt  }
0x6b: {  	_ =	shalt  }
0x6c: {  	_ =	shalt  }
0x6d: {  	_ =	shalt  }
0x6e: {  	_ =	shalt  }
0x6f: {  	_ =	shalt  }
0x70: {  	_ =	shalt  }
0x71: {  	_ =	shalt  }
0x72: {  	_ =	shalt  }
0x73: {  	_ =	shalt  }
0x74: {  	_ =	shalt  }
0x75: {  	_ =	shalt  }
0x76: {  	_ =	shalt  }
0x77: {  	_ =	shalt  }
0x78: {  	_ =	shalt  }
0x79: {  	_ =	shalt  }
0x7a: {  	_ =	shalt  }
0x7b: {  	_ =	shalt  }
0x7c: {  	_ =	shalt  }
0x7d: {  	_ =	shalt  }
0x7e: {  	_ =	shalt  }
0x7f: {  	_ =	shalt  }
0x80: {  	_ =	shalt  }
0x81: {  	_ =	shalt  }
0x82: {  	_ =	shalt  }
0x83: {  	_ =	shalt  }
0x84: {  	_ =	shalt  }
0x85: {  	_ =	shalt  }
0x86: {  	_ =	shalt  }
0x87: {  	_ =	shalt  }
.Lfunc_end0:
.L_simem_size_0:
called_computation.2_lowered:
.L_overlay_start_0:
0x88: {  	s2 =	sld [smem:$0x3FD9]  }
0x89: {  	s3 =	sld [smem:$0x3FFE];
	_ =	sdelay $0x1  }
0x8a: {  	s1 =	srdreg.scid  }
0x8b: {  	s0 =	sand.u32 $0x1, s1  }
0x8c: {  	s16 =	sshll.u32 s0, $0xA;
	s2 =	sadd.s32 s3, s2  }
0x8d: {  	s2 =	sadd.s32 s2, s16  }
0x8e: {  	[smem:$0x3FBE] =	sst s2  }
0x8f: {  	_ = 	snop  }
0x90: {  	(tm) =	ssettm $0x1  }
0x91: {  	s17 =	sld [smem:$0x3FFB];
	_ =	sdelay $0x3  }
0x92: {  	_ =	strace s17  }
0x93: {  	s2 =	sld [smem:$0x3FFC];
	_ =	sdelay $0x3  }
0x94: {  	_ =	strace s2  }
0x95: {  	s2 =	sld [smem:$0x3FFD];
	_ =	sdelay $0x3  }
0x96: {  	_ =	strace s2  }
0x97: {  	_ =	strace $0x8FFFFFFF  }
0x98: {  	s18 =	sld [smem:$0x3FDB];
	_ =	sdelay $0x1  }
0x99: {  	s19 =	simm.s32 $_scs_section_size  }
0x9a: {  	s4 =	simm.s32 $_size__tile_overlayer_lowered;
	s5 =	simm.s32 $_tile_overlayer_lowered  }
0x9b: {  	s22 =	simm.s32 $0x1BFF;
	s21 =	sshll.u32 s5, $0x1;
	s2 =	sadd.s32 s19, s18  }
0x9c: {  	s6 =	simm.s32 $0x0;
	s20 =	sshll.u32 s4, $0x1;
	s4 =	sadd.s32 s21, s2  }
0x9d: {  	[timem:s6], [sflag:s22] =	dma.local [hbm:s4], s20  }
0x9e: {  	_ =	swait.ge [sflag:s22], s20  }
0x9f: {  	s3 =	ssub.s32 $0x0, s20;
	[sflag:s22] =	ssyncset.done $0x0  }
0xa0: {  	[sflag:s22] =	ssyncadd.s32 s3;
	_ =	sdelay $0x1  }
0xa1: {  	s23 =	simm.s32 $0x1B8B  }
0xa2: {  	_ =	swait.ge [sflag:s23], $0x1  }
0xa3: {  	[sflag:s23] =	ssyncset.done $0x0  }
0xa4: {  	s25 =	simm.s32 $0x1B8E;
	s24 =	sld [smem:$0x3FFE];
	[sflag:s23] =	ssyncadd.s32 $0xFFFFFFFF  }
0xa5: {  	s26 =	simm.s32 $execute0_lowered;
	[smem:$0x3FD2] =	sst s25  }
0xa6: {  	s4 =	sshll.u32 s26, $0x1;
	_ =	strace $0x8000004C;
	[dreg:$0x1] =	wrdreg $0xFFFFFFFF  }
0xa7: {  	s28 =	simm.s32 $_size_execute0_lowered;
	s2 =	sadd.s32 s2, s4;
	[dreg:$0x0] =	wrdreg $0x0  }
0xa8: {  	s4 =	sshll.u32 s28, $0x1;
	[dreg:$0x2] =	wrdreg s2  }
0xa9: {  	[dreg:$0x3] =	wrdreg s4  }
0xaa: {  	[dreg:$0x4] =	wrdreg $0xC0  }
0xab: {  	_ =	task [dreg:s6], $0x5FFFF  }
0xac: {  	[dreg:$0x1] =	wrdreg $0xFFFFFFFF  }
0xad: {  	[dreg:$0x0] =	wrdreg $0x60  }
0xae: {  	[dreg:$0x2] =	wrdreg s24  }
0xaf: {  	[dreg:$0x3] =	wrdreg $0x154800  }
0xb0: {  	[dreg:$0x4] =	wrdreg $0x9  }
0xb1: {  	_ =	task.clear_ibuf [dreg:s6], $0x5FFFF;
	_ =	strace $0x9000004C  }
0xb2: {  	s29 =	simm.s32 $0x9;
	_ =	strace $0x8000004E  }
0xb3: {  	_ =	swait.ge [sflag:s29], $0x1  }
0xb4: {  	[sflag:s29] =	ssyncadd.s32 $0xFFFFFFFF  }
0xb5: {  	_ =	strace $0x9000004E  }
0xb6: {  	_ =	sfence  }
0xb7: {  	s30 =	sld [smem:$0x0];
	_ =	sdelay $0x2  }
0xb8: {  	s31 =	sshll.u32 s1, $0xD;
	s1 =	sshrl.u32 s1, $0x2  }
0xb9: {  	s3 =	sand.u32 $0x4000, s31;
	s1 =	sadd.s32 s1, s30  }
0xba: {  	s0 =	sor.u32 s3, s0;
	s1 =	sshll.u32 s1, $0x11  }
0xbb: {  	s0 =	sor.u32 s1, s0  }
0xbc: {  	s0 =	sadd.s32 $0x8F2B, s0  }
0xbd: {  	[sflag:s0] =	ssyncadd.remote.s32 $0x1  }
0xbe: {  	_ =	sfence.sel $0xFFFF  }
0xbf: {  	[dreg:$0x0] =	wrdreg $0xFFFFFFFF;
	(pc) =	sbr.abs _section_cstart, $3  }
0xc0: {  	[dreg:$0x1] =	wrdreg $0xFFFFFFFF  }
0xc1: {  	_ =	task.clear_ibuf [dreg:s6], $0x2FFFF;
	_ =	strace $0x9FFFFFFF  }
0xc2: {  	(tm) =	ssettm $0x7FFFFFFF  }
0xc3: {  	_ =	shalt  }
tec
execute0_lowered:
.L_overlay_start_1:
0x0: {  	(tag) =	ssettag $0x1  }
0x1: {  	s4 =	rddreg [dreg:$0x0]  }
0x2: {  	s1 =	rddreg [dreg:$0x1]  }
0x3: {  	s2 =	srdreg.scid;
	s0 =	rddreg [dreg:$0x2]  }
0x4: {  	s3 =	simm.s32 $0x0;
	s13 =	simm.s32 $0x80;
	s14 =	simm.s32 $0x4F00  }
0x5: {  	s15 =	simm.s32 $0xED00;
	s16 =	simm.s32 $0x4F80;
	s17 =	simm.s32 $0x10D00  }
0x6: {  	s18 =	simm.s32 $0x1;
	s19 =	simm.s32 $0x2;
	s5 =	sand.u32 $0x1, s2  }
0x7: {  	s20 =	simm.s32 $0x3;
	s2 =	stileid.u32;
	s6 =	smul.u32 $0x13880, s5  }
0x8: {  	s21 =	simm.s32 $0x4;
	s22 =	simm.s32 $0xEC00;
	s7 =	smul.u32 $0x9E0, s2  }
0x9: {  	s23 =	simm.s32 $0xEC80;
	[smem:$0x7FF] =	sst s3;
	s30 =	smul.u32 $0x27800, s2  }
0xa: {  	_ =	strace $0x8000004D;
	s8 =	smul.u32 $0x13C00, s5;
	s5 =	ssub.s32 $0x2, s5  }
0xb: {  	s11 =	smul.u32 $0x9E00, s2;
	s10 =	sshrl.u32 s5, $0x1;
	s9 =	sadd.s32 s6, s4  }
0xc: {  	s7 =	sadd.s32 s7, s4;
	s6 =	sshrl.u32 s30, $0x2;
	s12 =	sadd.s32 s8, s4  }
0xd: {  	s10 =	ssub.s32 s5, s10;
	s5 =	sadd.s32 s11, s1;
	s25 =	sshrl.u32 s11, $0x3  }
0xe: {  	s11 =	simm.s32 $0x5;
	s31 =	sadd.s32 s6, s1;
	s4 =	sadd.s32 $0x1800, s7  }
0xf: {  	s9 =	sadd.s32 $0xB600, s9;
	s24 =	sadd.s32 $0x32800, s12;
	s10 =	smax.u32 s10, $0x1  }
0x10: {  	s12 =	simm.s32 $0x12D00;
	s6 =	sadd.s32 $0x2780, s31;
	s7 =	sadd.s32 $0x4F00, s31  }
0x11: {  	v0 =	vimm.f32 $0.0e+00;
	s8 =	sadd.s32 $0x7680, s31;
	s24 =	sadd.s32 s25, s24;
	s25 =	simm.s32 $0x0  }
.LBB2_1:
0x12: {  	[tilespmem:s3], [sflag:$0x5] =	stream.linear.gather [hbm4b:s4+s3], $0x4F00, $0x38;
	[tilespmem:$0x1F280] =	vst v63  }
0x13: {  	_ =	swait.ge [sflag:s11], $0x4F00  }
0x14: {  	[sflag:s11] =	ssyncset.done $0x0  }
0x15: {  	s26 =	simm.s32 $0x0;
	[sflag:s11] =	ssyncadd.s32 $0xFFFFB100  }
0x16: {  	v1 =	vld [tilespmem:s26+$0x70]  }
0x17: {  	v2 =	vld [tilespmem:s26+$0x0];
	_ =	sdelay $0x1  }
0x18: {  	v3 =	vld [tilespmem:s26+$0x10]  }
0x19: {  	v6 =	vld [tilespmem:s26+$0x40]  }
0x1a: {  	v7 =	vshrl.u32 v1, $0xE  }
0x1b: {  	v4 =	vld [tilespmem:s26+$0x20];
	v9 =	vand.u32 $0x3FFF, v2;
	[tilespmem:s26+$0x9E70] =	vst v7  }
0x1c: {  	v2 =	vshrl.u32 v2, $0xE;
	[tilespmem:s26+$0x4F00] =	vst v9  }
0x1d: {  	v5 =	vld [tilespmem:s26+$0x30];
	v62 =	vand.u32 $0x3FFF, v3;
	[tilespmem:s26+$0x9E00] =	vst v2  }
0x1e: {  	v8 =	vld [tilespmem:s26+$0x50];
	v63 =	vand.u32 $0x3FFF, v6;
	[tilespmem:s26+$0x4F10] =	vst v62  }
0x1f: {  	v7 =	vld [tilespmem:s26+$0x60];
	v2 =	vshrl.u32 v3, $0xE;
	[tilespmem:s26+$0x4F40] =	vst v63  }
0x20: {  	v3 =	vand.u32 $0x3FFF, v4;
	[tilespmem:s26+$0x9E10] =	vst v2  }
0x21: {  	v2 =	vshrl.u32 v4, $0xE;
	[tilespmem:s26+$0x4F20] =	vst v3  }
0x22: {  	v1 =	vand.u32 $0x3FFF, v1;
	v3 =	vand.u32 $0x3FFF, v5;
	[tilespmem:s26+$0x9E20] =	vst v2  }
0x23: {  	v6 =	vshrl.u32 v6, $0xE;
	v4 =	vshrl.u32 v8, $0xE;
	v2 =	vshrl.u32 v5, $0xE;
	[tilespmem:s26+$0x4F30] =	vst v3  }
0x24: {  	s28 =	simm.s32 $0x80;
	s29 =	simm.s32 $0x400;
	v5 =	vand.u32 $0x3FFF, v8;
	[tilespmem:s26+$0x9E30] =	vst v2;
	v3 =	vand.u32 $0x3FFF, v7;
	v2 =	vshrl.u32 v7, $0xE  }
.LBB2_2:
0x25: {  	p0 =	sne.s32 s29, $0x13A00;
	v7 =	vld [tilespmem:s28+$0x70];
	[tilespmem:s26+$0x9E40] =	vst v6  }
0x26: {  	v6 =	vld [tilespmem:s28+$0x0];
	[tilespmem:s26+$0x4F50] =	vst v5  }
0x27: {  	v5 =	vld [tilespmem:s28+$0x10];
	[tilespmem:s26+$0x9E50] =	vst v4  }
0x28: {  	v4 =	vld [tilespmem:s28+$0x20];
	[tilespmem:s26+$0x4F60] =	vst v3  }
0x29: {  	v3 =	vld [tilespmem:s28+$0x30];
	[tilespmem:s26+$0x9E60] =	vst v2  }
0x2a: {  	v2 =	vld [tilespmem:s28+$0x40];
	v8 =	vshrl.u32 v7, $0xE;
	[tilespmem:s26+$0x4F70] =	vst v1;
	v1 =	vand.u32 $0x3FFF, v7;
	s26 =	smov.u32 s28  }
0x2b: {  	v7 =	vand.u32 $0x3FFF, v6;
	v6 =	vshrl.u32 v6, $0xE;
	v9 =	vld [tilespmem:s26+$0x50];
	[tilespmem:s26+$0x9E70] =	vst v8  }
0x2c: {  	[tilespmem:s26+$0x4F00] =	vst v7;
	v7 =	vand.u32 $0x3FFF, v5;
	v5 =	vshrl.u32 v5, $0xE;
	v8 =	vld [tilespmem:s26+$0x60]  }
0x2d: {  	[tilespmem:s26+$0x9E00] =	vst v6;
	v10 =	vand.u32 $0x3FFF, v4;
	v11 =	vshrl.u32 v4, $0xE  }
0x2e: {  	[tilespmem:s26+$0x4F10] =	vst v7;
	v7 =	vand.u32 $0x3FFF, v3;
	v12 =	vshrl.u32 v3, $0xE  }
0x2f: {  	[tilespmem:s26+$0x9E10] =	vst v5;
	v13 =	vand.u32 $0x3FFF, v2;
	v6 =	vshrl.u32 v2, $0xE  }
.Ltmp0:
0x30: {  	[tilespmem:s26+$0x4F20] =	vst v10;
	v5 =	vand.u32 $0x3FFF, v9;
	v4 =	vshrl.u32 v9, $0xE;
	(pc) =	sbr.rel @p0 .LBB2_2-.Ltmp0, $4  }
0x31: {  	[tilespmem:s26+$0x9E20] =	vst v11;
	v3 =	vand.u32 $0x3FFF, v8;
	v2 =	vshrl.u32 v8, $0xE  }
0x32: {  	[tilespmem:s26+$0x4F30] =	vst v7  }
0x33: {  	[tilespmem:s26+$0x9E30] =	vst v12  }
0x34: {  	s28 =	sshra.s32 s29, $0x2;
	s29 =	sadd.s32 $0x200, s29;
	[tilespmem:s26+$0x4F40] =	vst v13  }
0x35: {  	v7 =	vld [tilespmem:s28+$0x70];
	[tilespmem:s26+$0x9E40] =	vst v6  }
0x36: {  	v6 =	vld [tilespmem:s28+$0x0];
	[tilespmem:s26+$0x4F50] =	vst v5  }
0x37: {  	v5 =	vld [tilespmem:s28+$0x10];
	[tilespmem:s26+$0x9E50] =	vst v4  }
0x38: {  	v4 =	vld [tilespmem:s28+$0x20];
	[tilespmem:s26+$0x4F60] =	vst v3  }
0x39: {  	v3 =	vld [tilespmem:s28+$0x30];
	[tilespmem:s26+$0x9E60] =	vst v2  }
0x3a: {  	v2 =	vld [tilespmem:s28+$0x40];
	[tilespmem:s26+$0x4F70] =	vst v1;
	v1 =	vshrl.u32 v7, $0xE  }
0x3b: {  	v9 =	vand.u32 $0x3FFF, v6;
	[tilespmem:s28+$0x9E70] =	vst v1  }
0x3c: {  	v1 =	vshrl.u32 v6, $0xE;
	[tilespmem:s28+$0x4F00] =	vst v9  }
0x3d: {  	v61 =	vand.u32 $0x3FFF, v5;
	[tilespmem:s28+$0x9E00] =	vst v1  }
0x3e: {  	v1 =	vshrl.u32 v5, $0xE;
	[tilespmem:s28+$0x4F10] =	vst v61  }
0x3f: {  	v62 =	vand.u32 $0x3FFF, v4;
	[tilespmem:s28+$0x9E10] =	vst v1  }
0x40: {  	v8 =	vld [tilespmem:s28+$0x50];
	v1 =	vshrl.u32 v4, $0xE;
	[tilespmem:s28+$0x4F20] =	vst v62  }
0x41: {  	v63 =	vand.u32 $0x3FFF, v3;
	[tilespmem:s28+$0x9E20] =	vst v1  }
0x42: {  	v60 =	vld [tilespmem:s28+$0x60];
	v1 =	vshrl.u32 v3, $0xE;
	[tilespmem:s28+$0x4F30] =	vst v63  }
0x43: {  	v3 =	vand.u32 $0x3FFF, v2;
	[tilespmem:s28+$0x9E30] =	vst v1  }
0x44: {  	v1 =	vshrl.u32 v2, $0xE;
	[tilespmem:s28+$0x4F40] =	vst v3  }
0x45: {  	v2 =	vand.u32 $0x3FFF, v8;
	[tilespmem:s28+$0x9E40] =	vst v1  }
0x46: {  	v1 =	vshrl.u32 v8, $0xE;
	[tilespmem:s28+$0x4F50] =	vst v2  }
0x47: {  	v2 =	vand.u32 $0x3FFF, v60;
	[tilespmem:s28+$0x9E50] =	vst v1  }
0x48: {  	v1 =	vshrl.u32 v60, $0xE;
	[tilespmem:s28+$0x4F60] =	vst v2  }
0x49: {  	v2 =	vand.u32 $0x3FFF, v7;
	[tilespmem:s28+$0x9E60] =	vst v1  }
0x4a: {  	s26 =	simm.s32 $0x0;
	[tilespmem:s28+$0x4F70] =	vst v2;
	s28 =	simm.s32 $0x100  }
.LBB2_4:
0x4b: {  	p0 =	sne.s32 s28, $0x9D00;
	[tilespmem:s26+$0x12D30] =	vst v0;
	s29 =	smov.u32 s28;
	s28 =	sadd.s32 $0x100, s28  }
.Ltmp1:
0x4c: {  	[tilespmem:s26+$0x12D20] =	vst v0;
	(pc) =	sbr.rel @p0 .LBB2_4-.Ltmp1, $3  }
0x4d: {  	[tilespmem:s26+$0x12D00] =	vst v0  }
0x4e: {  	[tilespmem:s26+$0x12D10] =	vst v0;
	_ =	sdelay $0x1  }
0x4f: {  	s26 =	sshra.s32 s29, $0x2  }
0x50: {  	[tilespmem:s26+$0x12D30] =	vst v0  }
0x51: {  	[tilespmem:s26+$0x12D20] =	vst v0  }
0x52: {  	[tilespmem:s26+$0x12D00] =	vst v0  }
0x53: {  	[tilespmem:s26+$0x12D10] =	vst v0  }
0x54: {  	[spmem:s5] =	stream.linear.scatter [tilespmem:s12], [sflag:$0x5], $0x2780, $0x38;
	[tilespmem:$0x1F280] =	vst v63  }
0x55: {  	_ =	swait.ge [sflag:s11], $0x2780  }
0x56: {  	[sflag:s11] =	ssyncset.done $0x0  }
0x57: {  	[sflag:s11] =	ssyncadd.s32 $0xFFFFD880  }
0x58: {  	[spmem:s6] =	stream.linear.scatter [tilespmem:s12], [sflag:$0x5], $0x2780, $0x38;
	[tilespmem:$0x1F280] =	vst v63  }
0x59: {  	_ =	swait.ge [sflag:s11], $0x2780  }
0x5a: {  	[sflag:s11] =	ssyncset.done $0x0  }
0x5b: {  	[sflag:s11] =	ssyncadd.s32 $0xFFFFD880  }
0x5c: {  	[spmem:s7] =	stream.linear.scatter [tilespmem:s12], [sflag:$0x5], $0x2780, $0x38;
	[tilespmem:$0x1F280] =	vst v63  }
0x5d: {  	_ =	swait.ge [sflag:s11], $0x2780  }
0x5e: {  	[sflag:s11] =	ssyncset.done $0x0  }
0x5f: {  	[sflag:s11] =	ssyncadd.s32 $0xFFFFD880  }
0x60: {  	[spmem:s8] =	stream.linear.scatter [tilespmem:s12], [sflag:$0x5], $0x2780, $0x38;
	[tilespmem:$0x1F280] =	vst v63  }
0x61: {  	_ =	swait.ge [sflag:s11], $0x2780  }
0x62: {  	[sflag:s11] =	ssyncset.done $0x0  }
0x63: {  	[sflag:s11] =	ssyncadd.s32 $0xFFFFD880  }
0x64: {  	[bflag:$0x0] =	sbarrier.arrive $0xFFFF  }
0x65: {  	[tilespmem:s15], [sflag:$0x1] =	stream.indirect.gather [hbm4b:s9+s13], $0x40, s14, s13, $0xb8;
	[tilespmem:$0x1F280] =	vst v63  }
0x66: {  	_ = 	snop  }
0x67: {  	[tilespmem:s17], [sflag:$0x2] =	stream.indirect.gather [hbm4b:s9+s13], $0x40, s16, s13, $0xb8;
	[tilespmem:$0x1F280] =	vst v63  }
0x68: {  	_ =	swait.ge [sflag:s18], $0x2000  }
0x69: {  	[sflag:s18] =	ssyncset.done $0x0  }
0x6a: {  	s29 =	simm.s32 $0x9E00;
	[sflag:s18] =	ssyncadd.s32 $0xFFFFE000  }
0x6b: {  	[spmem:s1] =	stream.indirect.scatter.add.f32 [tilespmem:s15], [sflag:$0x3], $0x40, s29, s13, $0xb8;
	[tilespmem:$0x1F280] =	vst v63  }
0x6c: {  	_ =	swait.ge [sflag:s19], $0x2000  }
0x6d: {  	[sflag:s19] =	ssyncset.done $0x0  }
0x6e: {  	s30 =	simm.s32 $0x9E80;
	[sflag:s19] =	ssyncadd.s32 $0xFFFFE000  }
0x6f: {  	[spmem:s1] =	stream.indirect.scatter.add.f32 [tilespmem:s17], [sflag:$0x4], $0x40, s30, s13, $0xb8;
	[tilespmem:$0x1F280] =	vst v63  }
0x70: {  	_ =	swait.ge [sflag:s20], $0x2000  }
0x71: {  	[sflag:s20] =	ssyncset.done $0x0  }
0x72: {  	s31 =	simm.s32 $0x5000;
	[sflag:s20] =	ssyncadd.s32 $0xFFFFE000  }
0x73: {  	[tilespmem:s15], [sflag:$0x1] =	stream.indirect.gather [hbm4b:s9+s13], $0x40, s31, s13, $0xb8;
	[tilespmem:$0x1F280] =	vst v63  }
0x74: {  	_ =	swait.ge [sflag:s21], $0x2000  }
0x75: {  	[sflag:s21] =	ssyncset.done $0x0  }
0x76: {  	s26 =	simm.s32 $0x400;
	s28 =	simm.s32 $0x5080;
	[sflag:s21] =	ssyncadd.s32 $0xFFFFE000  }
.LBB2_6:
0x77: {  	[tilespmem:s17], [sflag:$0x2] =	stream.indirect.gather [hbm4b:s9+s13], $0x40, s28, s13, $0xb8;
	[tilespmem:$0x1F280] =	vst v63  }
0x78: {  	s28 =	smov.u32 s26  }
0x79: {  	p0 =	sne.s32 s26, $0x13400;
	s26 =	sadd.s32 $0x400, s26;
	_ =	swait.ge [sflag:s18], $0x2000  }
0x7a: {  	s28 =	sshra.s32 s28, $0x2;
	[sflag:s18] =	ssyncset.done $0x0  }
0x7b: {  	s29 =	sadd.s32 $0x9E00, s28;
	[sflag:s18] =	ssyncadd.s32 $0xFFFFE000  }
0x7c: {  	[spmem:s1] =	stream.indirect.scatter.add.f32 [tilespmem:s15], [sflag:$0x3], $0x40, s29, s13, $0xb8;
	[tilespmem:$0x1F280] =	vst v63  }
0x7d: {  	_ =	swait.ge [sflag:s19], $0x2000  }
0x7e: {  	[sflag:s19] =	ssyncset.done $0x0  }
0x7f: {  	s29 =	sadd.s32 $0x9E80, s28;
	[sflag:s19] =	ssyncadd.s32 $0xFFFFE000  }
0x80: {  	[spmem:s1] =	stream.indirect.scatter.add.f32 [tilespmem:s17], [sflag:$0x4], $0x40, s29, s13, $0xb8;
	[tilespmem:$0x1F280] =	vst v63  }
0x81: {  	_ =	swait.ge [sflag:s20], $0x2000  }
0x82: {  	[sflag:s20] =	ssyncset.done $0x0  }
.Ltmp2:
0x83: {  	s29 =	sadd.s32 $0x5000, s28;
	[sflag:s20] =	ssyncadd.s32 $0xFFFFE000;
	(pc) =	sbr.rel @p0 .LBB2_6-.Ltmp2, $4  }
0x84: {  	[tilespmem:s15], [sflag:$0x1] =	stream.indirect.gather [hbm4b:s9+s13], $0x40, s29, s13, $0xb8;
	[tilespmem:$0x1F280] =	vst v63  }
0x85: {  	_ =	swait.ge [sflag:s21], $0x2000  }
0x86: {  	[sflag:s21] =	ssyncset.done $0x0  }
0x87: {  	s28 =	sadd.s32 $0x5080, s28;
	[sflag:s21] =	ssyncadd.s32 $0xFFFFE000  }
0x88: {  	[tilespmem:s17], [sflag:$0x2] =	stream.indirect.gather [hbm4b:s9+s13], $0x40, s28, s13, $0xb8;
	[tilespmem:$0x1F280] =	vst v63  }
0x89: {  	_ =	swait.ge [sflag:s18], $0x2000  }
0x8a: {  	[sflag:s18] =	ssyncset.done $0x0  }
0x8b: {  	[sflag:s18] =	ssyncadd.s32 $0xFFFFE000  }
0x8c: {  	[spmem:s1] =	stream.indirect.scatter.add.f32 [tilespmem:s15], [sflag:$0x3], $0x40, s22, s13, $0xb8;
	[tilespmem:$0x1F280] =	vst v63  }
0x8d: {  	_ =	swait.ge [sflag:s19], $0x2000  }
0x8e: {  	[sflag:s19] =	ssyncset.done $0x0  }
0x8f: {  	[sflag:s19] =	ssyncadd.s32 $0xFFFFE000  }
0x90: {  	[spmem:s1] =	stream.indirect.scatter.add.f32 [tilespmem:s17], [sflag:$0x4], $0x40, s23, s13, $0xb8;
	[tilespmem:$0x1F280] =	vst v63  }
0x91: {  	_ =	swait.ge [sflag:s20], $0x2000  }
0x92: {  	[sflag:s20] =	ssyncset.done $0x0  }
0x93: {  	[sflag:s20] =	ssyncadd.s32 $0xFFFFE000  }
0x94: {  	_ =	swait.ge [sflag:s21], $0x2000  }
0x95: {  	s26 =	sshll.u32 s2, $0x6;
	s25 =	sadd.s32 $0x1, s25;
	[sflag:s21] =	ssyncset.done $0x0  }
0x96: {  	s31 =	sshrl.u32 s5, $0x3;
	p0 =	sne.s32 s25, s10;
	[sflag:s21] =	ssyncadd.s32 $0xFFFFE000  }
.Ltmp3:
0x97: {  	s26 =	sor.u32 $0x1C05, s26;
	[bflag:$0x0] =	sbarrier.arrive $0xFFFF;
	(pc) =	sbr.rel @p0 .LBB2_1-.Ltmp3, $4  }
0x98: {  	[hbm:s24], [sflag:s26] =	dma.local [spmem:s31], $0x13C0  }
0x99: {  	_ =	swait.ge [sflag:s11], $0x13C0  }
0x9a: {  	[sflag:s11] =	ssyncset.done $0x0  }
0x9b: {  	[sflag:s11] =	ssyncadd.s32 $0xFFFFEC40  }
0x9c: {  	_ =	sfence.sel $0x180000  }
0x9d: {  	[bflag:$0x0] =	sbarrier.arrive $0xFFFF  }
0x9e: {  	p0 =	sne.s32 s2, $0x0;
	_ =	strace $0x9000004D  }
0x9f: {  	s0 =	sadd.s32 @!p0 $0x100000, s0;
	[bflag:$0x2] =	sbarrier.arrive $0xFFFF  }
0xa0: {  	[sflag:s0] =	ssyncadd.tile.s32 @!p0 $0x1;
	_ =	shalt  }
.Lfunc_end2:
_tile_overlayer_lowered:
.L_overlay_start_2:
0xa1: {  	(tag) =	ssettag $0x2  }
0xa2: {  	s0 =	rddreg [dreg:$0x0];
	s2 =	stileid.u32  }
0xa3: {  	s1 =	rddreg [dreg:$0x1];
	p0 =	sne.s32 s2, $0x0  }
0xa4: {  	s3 =	rddreg [dreg:$0x2];
	[bflag:$0x3] =	sbarrier.arrive $0xFFFF;
	s2 =	simm.s32 @!p0 $0x1C05  }
0xa5: {  	[timem:s3], [sflag:s2] =	dma.local @!p0 [hbm:s0], s1  }
0xa6: {  	s0 =	simm.s32 @!p0 $0x5  }
0xa7: {  	_ =	swait.ge @!p0 [sflag:s0], s1  }
0xa8: {  	s1 =	ssub.s32 @!p0 $0x0, s1;
	[sflag:s0] =	ssyncset.done @!p0 $0x0  }
0xa9: {  	[sflag:s0] =	ssyncadd.s32 @!p0 s1  }
0xaa: {  	[bflag:$0x3] =	sbarrier.arrive $0xFFFF  }
0xab: {  	_ =	shalt  }

// kernel: kernel.9.cloned.1.call-start
scs
__scs_entry_jumppad:
0x0: {  	(pc) =	sbr.rel $0x88, $3  }
0x1: {  	(tag) =	ssettag $0x0;
	lr =	simm.s32 $0x1  }
0x2: {  	[smem:$0x3F97] =	sst lr;
	_ =	strace $0xD0000000  }
0x3: {  	_ = 	snop  }
0x4: {  	_ = 	snop  }
0x5: {  	_ = 	snop  }
0x6: {  	_ = 	snop  }
0x7: {  	_ = 	snop  }
__scs_overlays_trampoline_lowered:
0x8: {  	[smem:$0x3FA6] =	sst s0  }
0x9: {  	[smem:$0x3FA7] =	sst s1  }
0xa: {  	[smem:$0x3FA8] =	sst s2  }
0xb: {  	[smem:$0x3FA9] =	sst s3  }
0xc: {  	[smem:$0x3FAA] =	sst s4  }
0xd: {  	[smem:$0x3FAB] =	sst s5  }
0xe: {  	[smem:$0x3FAC] =	sst s6  }
0xf: {  	[smem:$0x3FAD] =	sst s7  }
0x10: {  	[smem:$0x3FAE] =	sst s8  }
0x11: {  	[smem:$0x3FAF] =	sst s9;
	s0 =	simm.s32 @!p0 $0x0  }
0x12: {  	s1 =	sld [smem:$0x3F95];
	s0 =	simm.s32 @p0 $0x1  }
0x13: {  	[smem:$0x3FB0] =	sst s0;
	s0 =	simm.s32 @!p1 $0x0  }
0x14: {  	s2 =	sld [smem:$0x3F94];
	s0 =	simm.s32 @p1 $0x1  }
0x15: {  	[smem:$0x3FB1] =	sst s0;
	s0 =	simm.s32 @!p2 $0x0  }
0x16: {  	s3 =	sld [smem:$0x3FDB];
	s0 =	simm.s32 @p2 $0x1  }
0x17: {  	s4 =	simm.s32 $0x1BF5;
	[smem:$0x3FB3] =	sst s0  }
0x18: {  	s0 =	sld [smem:$0x3F96];
	_ =	swait.ge [sflag:s4], $0x0  }
0x19: {  	s7 =	sld [smem:$0x3F97]  }
0x1a: {  	s8 =	sadd.s32 $0xFFFFE003, lr  }
0x1b: {  	s9 =	sadd.s32 $0xFFFFFEF7, lr;
	s5 =	simm.s32 $0xFFFFFFFF;
	p2 =	slt.u32 s8, $0xFFFFF086  }
0x1c: {  	p1 =	slt.u32 s9, $0xF7A;
	s5 =	simm.s32 @!p2 $0x0  }
0x1d: {  	s5 =	simm.s32 @p1 $0x1;
	p0 =	seq.s32 s7, s2  }
0x1e: {  	s7 =	smul.u32 @!p0 $0xF7A, s2;
	p2 =	seq.s32 @!p0 s5, $0x0  }
0x1f: {  	s9 =	smul.u32 $0xF7A, s1;
	s8 =	simm.s32 @!p0 $0x1BF5;
	p2 =	por !p2, p0  }
0x20: {  	[sflag:s8] =	ssyncset.s32 @!p0 $0xFFFFF086;
	s6 =	sadd.s32 @!p0 s3, s7;
	s7 =	simm.s32 @!p0 $0x108  }
0x21: {  	s3 =	sadd.s32 s3, s9;
	s6 =	sadd.s32 @!p0 $0x88, s6;
	s7 =	simm.s32 @p2 $0x1082  }
0x22: {  	[simem:s7], [sflag:s8] =	dma.local @!p0 [hbm:s6], $0xF7A  }
0x23: {  	s9 =	sor.u32 $0xD0000000, s2;
	s6 =	simm.s32 $0x108;
	_ =	swait.ge @!p0 [sflag:s8], $0x0  }
0x24: {  	s3 =	sadd.s32 $0x88, s3;
	s6 =	simm.s32 @!p1 $0x1082;
	[sflag:s4] =	ssyncset.s32 $0xFFFFF086  }
0x25: {  	[simem:s6], [sflag:s4] =	dma.local [hbm:s3], $0xF7A  }
0x26: {  	[smem:$0x3F97] =	sst s1;
	(tag) =	ssettag s2;
	_ =	strace s9  }
0x27: {  	s1 =	sld [smem:$0x3FA7]  }
0x28: {  	s2 =	sld [smem:$0x3FA8]  }
0x29: {  	s4 =	sld [smem:$0x3FAA]  }
0x2a: {  	p0 =	seq.s32 s5, $0x0;
	s5 =	sld [smem:$0x3FAB]  }
0x2b: {  	s6 =	sld [smem:$0x3FAC]  }
0x2c: {  	s7 =	sld [smem:$0x3FAD]  }
0x2d: {  	s3 =	simm.s32 $0x108;
	s8 =	sld [smem:$0x3FAE]  }
0x2e: {  	s3 =	simm.s32 @!p0 $0x1082;
	s9 =	sld [smem:$0x3FAF]  }
0x2f: {  	lr =	sadd.s32 s0, s3;
	s0 =	sld [smem:$0x3FA6]  }
0x30: {  	s3 =	sld [smem:$0x3FA9]  }
0x31: {  	[smem:$0x3FB2] =	sst s10  }
0x32: {  	s10 =	sld [smem:$0x3FB0];
	_ =	sdelay $0x3  }
0x33: {  	p0 =	seq.s32 s10, $0x1;
	s10 =	sld [smem:$0x3FB2];
	_ =	sdelay $0x3  }
0x34: {  	[smem:$0x3FB2] =	sst s10  }
0x35: {  	s10 =	sld [smem:$0x3FB1];
	_ =	sdelay $0x3  }
0x36: {  	p1 =	seq.s32 s10, $0x1;
	s10 =	sld [smem:$0x3FB2];
	_ =	sdelay $0x3  }
0x37: {  	[smem:$0x3FB2] =	sst s10  }
0x38: {  	s10 =	sld [smem:$0x3FB3]  }
0x39: {  	_ = 	snop;
	(pc) =	sbr.ind lr, $3  }
0x3a: {  	_ = 	snop  }
0x3b: {  	_ = 	snop  }
0x3c: {  	p2 =	seq.s32 s10, $0x1;
	s10 =	sld [smem:$0x3FB2]  }
0x3d: {  	_ =	shalt  }
0x3e: {  	_ =	shalt  }
0x3f: {  	_ =	shalt  }
0x40: {  	_ =	shalt  }
0x41: {  	_ =	shalt  }
0x42: {  	_ =	shalt  }
0x43: {  	_ =	shalt  }
0x44: {  	_ =	shalt  }
0x45: {  	_ =	shalt  }
0x46: {  	_ =	shalt  }
0x47: {  	_ =	shalt  }
0x48: {  	_ =	shalt  }
0x49: {  	_ =	shalt  }
0x4a: {  	_ =	shalt  }
0x4b: {  	_ =	shalt  }
0x4c: {  	_ =	shalt  }
0x4d: {  	_ =	shalt  }
0x4e: {  	_ =	shalt  }
0x4f: {  	_ =	shalt  }
0x50: {  	_ =	shalt  }
0x51: {  	_ =	shalt  }
0x52: {  	_ =	shalt  }
0x53: {  	_ =	shalt  }
0x54: {  	_ =	shalt  }
0x55: {  	_ =	shalt  }
0x56: {  	_ =	shalt  }
0x57: {  	_ =	shalt  }
0x58: {  	_ =	shalt  }
0x59: {  	_ =	shalt  }
0x5a: {  	_ =	shalt  }
0x5b: {  	_ =	shalt  }
0x5c: {  	_ =	shalt  }
0x5d: {  	_ =	shalt  }
0x5e: {  	_ =	shalt  }
0x5f: {  	_ =	shalt  }
0x60: {  	_ =	shalt  }
0x61: {  	_ =	shalt  }
0x62: {  	_ =	shalt  }
0x63: {  	_ =	shalt  }
0x64: {  	_ =	shalt  }
0x65: {  	_ =	shalt  }
0x66: {  	_ =	shalt  }
0x67: {  	_ =	shalt  }
0x68: {  	_ =	shalt  }
0x69: {  	_ =	shalt  }
0x6a: {  	_ =	shalt  }
0x6b: {  	_ =	shalt  }
0x6c: {  	_ =	shalt  }
0x6d: {  	_ =	shalt  }
0x6e: {  	_ =	shalt  }
0x6f: {  	_ =	shalt  }
0x70: {  	_ =	shalt  }
0x71: {  	_ =	shalt  }
0x72: {  	_ =	shalt  }
0x73: {  	_ =	shalt  }
0x74: {  	_ =	shalt  }
0x75: {  	_ =	shalt  }
0x76: {  	_ =	shalt  }
0x77: {  	_ =	shalt  }
0x78: {  	_ =	shalt  }
0x79: {  	_ =	shalt  }
0x7a: {  	_ =	shalt  }
0x7b: {  	_ =	shalt  }
0x7c: {  	_ =	shalt  }
0x7d: {  	_ =	shalt  }
0x7e: {  	_ =	shalt  }
0x7f: {  	_ =	shalt  }
0x80: {  	_ =	shalt  }
0x81: {  	_ =	shalt  }
0x82: {  	_ =	shalt  }
0x83: {  	_ =	shalt  }
0x84: {  	_ =	shalt  }
0x85: {  	_ =	shalt  }
0x86: {  	_ =	shalt  }
0x87: {  	_ =	shalt  }
.Lfunc_end0:
.L_simem_size_0:
called_computation_lowered:
.L_overlay_start_0:
0x88: {  	s2 =	sld [smem:$0x3FD9]  }
0x89: {  	s3 =	sld [smem:$0x3FFE];
	_ =	sdelay $0x1  }
0x8a: {  	s1 =	srdreg.scid  }
0x8b: {  	s0 =	sand.u32 $0x1, s1  }
0x8c: {  	s17 =	sshll.u32 s0, $0xA;
	s2 =	sadd.s32 s3, s2  }
0x8d: {  	s2 =	sadd.s32 s2, s17  }
0x8e: {  	[smem:$0x3FBE] =	sst s2  }
0x8f: {  	_ = 	snop  }
0x90: {  	(tm) =	ssettm $0x1  }
0x91: {  	s18 =	sld [smem:$0x3FFB];
	_ =	sdelay $0x3  }
0x92: {  	_ =	strace s18  }
0x93: {  	s2 =	sld [smem:$0x3FFC];
	_ =	sdelay $0x3  }
0x94: {  	_ =	strace s2  }
0x95: {  	s2 =	sld [smem:$0x3FFD];
	_ =	sdelay $0x3  }
0x96: {  	_ =	strace s2  }
0x97: {  	_ =	strace $0x8FFFFFFF  }
0x98: {  	s19 =	sld [smem:$0x3FDB];
	_ =	sdelay $0x1  }
0x99: {  	s20 =	simm.s32 $_scs_section_size  }
0x9a: {  	s4 =	simm.s32 $_size__tile_overlayer_lowered;
	s5 =	simm.s32 $_tile_overlayer_lowered  }
0x9b: {  	s6 =	simm.s32 $0x1BFF;
	s21 =	sshll.u32 s5, $0x1;
	s3 =	sadd.s32 s20, s19  }
0x9c: {  	s22 =	simm.s32 $0x0;
	s4 =	sshll.u32 s4, $0x1;
	s5 =	sadd.s32 s21, s3  }
0x9d: {  	[timem:s22], [sflag:s6] =	dma.local [hbm:s5], s4  }
0x9e: {  	_ =	swait.ge [sflag:s6], s4  }
0x9f: {  	s4 =	ssub.s32 $0x0, s4;
	[sflag:s6] =	ssyncset.done $0x0  }
0xa0: {  	[sflag:s6] =	ssyncadd.s32 s4;
	_ =	sdelay $0x1  }
0xa1: {  	s23 =	simm.s32 $0x1B8B  }
0xa2: {  	_ =	swait.ge [sflag:s23], $0x1  }
0xa3: {  	[sflag:s23] =	ssyncset.done $0x0  }
0xa4: {  	[sflag:s23] =	ssyncadd.s32 $0xFFFFFFFF  }
0xa5: {  	s4 =	sld [smem:$0x0]  }
0xa6: {  	s5 =	sand.u32 $0xFFFFFFFE, s1  }
0xa7: {  	p0 =	sne.s32 s1, s5  }
0xa8: {  	s5 =	sshll.u32 @p0 s5, $0xE  }
0xa9: {  	s5 =	sadd.s32 @p0 $0x11B8D, s5;
	s6 =	sshll.u32 @p0 s4, $0x11  }
0xaa: {  	s5 =	sor.u32 @p0 s6, s5  }
0xab: {  	[sflag:s5] =	ssyncadd.remote.s32 @p0 $0x1;
	_ =	sdelay $0x1  }
0xac: {  	s5 =	simm.s32 @p0 $0x1B8D  }
0xad: {  	_ =	swait.eq @p0 [sflag:s5], $0x1  }
0xae: {  	[sflag:s5] =	ssyncadd.s32 @p0 $0xFFFFFFFF  }
0xaf: {  	s6 =	sshll.u32 @!p0 s1, $0xE  }
0xb0: {  	s6 =	sor.u32 @!p0 $0x4000, s6;
	s5 =	simm.s32 @!p0 $0x1B8D  }
0xb1: {  	s4 =	sshll.u32 @!p0 s4, $0x11;
	s6 =	sadd.s32 @!p0 $0x11B8D, s6;
	_ =	swait.eq @!p0 [sflag:s5], $0x1  }
0xb2: {  	s4 =	sor.u32 @!p0 s4, s6;
	[sflag:s5] =	ssyncadd.s32 @!p0 $0xFFFFFFFF  }
0xb3: {  	s25 =	simm.s32 $0x1B8E;
	s24 =	sld [smem:$0x3FFE];
	[sflag:s4] =	ssyncadd.remote.s32 @!p0 $0x1  }
0xb4: {  	s26 =	simm.s32 $execute0_lowered;
	[smem:$0x3FD2] =	sst s25  }
0xb5: {  	s5 =	sshll.u32 s26, $0x1;
	_ =	strace $0x80000049;
	[dreg:$0x1] =	wrdreg $0xFFFFFFFF  }
0xb6: {  	s28 =	simm.s32 $_size_execute0_lowered;
	s3 =	sadd.s32 s3, s5;
	[dreg:$0x0] =	wrdreg $0x0  }
0xb7: {  	s5 =	sshll.u32 s28, $0x1;
	[dreg:$0x2] =	wrdreg s3  }
0xb8: {  	[dreg:$0x3] =	wrdreg s5  }
0xb9: {  	[dreg:$0x4] =	wrdreg $0xC0  }
0xba: {  	_ =	task [dreg:s22], $0x5FFFF  }
0xbb: {  	[dreg:$0x1] =	wrdreg $0xFFFFFFFF  }
0xbc: {  	[dreg:$0x0] =	wrdreg $0x60  }
0xbd: {  	[dreg:$0x2] =	wrdreg s24  }
0xbe: {  	[dreg:$0x3] =	wrdreg $0x154800  }
0xbf: {  	[dreg:$0x4] =	wrdreg $0x9  }
0xc0: {  	_ =	task.clear_ibuf [dreg:s22], $0x5FFFF;
	_ =	strace $0x90000049  }
0xc1: {  	s29 =	simm.s32 $0x9;
	_ =	strace $0x8000004B  }
0xc2: {  	_ =	swait.ge [sflag:s29], $0x1  }
0xc3: {  	[sflag:s29] =	ssyncadd.s32 $0xFFFFFFFF  }
0xc4: {  	_ =	strace $0x9000004B  }
0xc5: {  	_ =	sfence  }
0xc6: {  	s30 =	sld [smem:$0x0];
	_ =	sdelay $0x2  }
0xc7: {  	s31 =	sshll.u32 s1, $0xD;
	s1 =	sshrl.u32 s1, $0x2  }
0xc8: {  	s4 =	sand.u32 $0x4000, s31;
	s1 =	sadd.s32 s1, s30  }
0xc9: {  	s0 =	sor.u32 s4, s0;
	s1 =	sshll.u32 s1, $0x11  }
0xca: {  	s0 =	sor.u32 s1, s0  }
0xcb: {  	s0 =	sadd.s32 $0x8F2B, s0  }
0xcc: {  	[sflag:s0] =	ssyncadd.remote.s32 $0x1  }
0xcd: {  	_ =	sfence.sel $0xFFFF  }
0xce: {  	[dreg:$0x0] =	wrdreg $0xFFFFFFFF;
	(pc) =	sbr.abs _section_cstart, $3  }
0xcf: {  	[dreg:$0x1] =	wrdreg $0xFFFFFFFF  }
0xd0: {  	_ =	task.clear_ibuf [dreg:s22], $0x2FFFF;
	_ =	strace $0x9FFFFFFF  }
0xd1: {  	(tm) =	ssettm $0x7FFFFFFF  }
tec
execute0_lowered:
.L_overlay_start_1:
0x0: {  	(tag) =	ssettag $0x1  }
0x1: {  	s4 =	rddreg [dreg:$0x0]  }
0x2: {  	s1 =	rddreg [dreg:$0x1]  }
0x3: {  	s2 =	srdreg.scid;
	s0 =	rddreg [dreg:$0x2]  }
0x4: {  	s3 =	simm.s32 $0x0;
	s13 =	simm.s32 $0x80;
	s14 =	simm.s32 $0x4F00  }
0x5: {  	s15 =	simm.s32 $0xED00;
	s16 =	simm.s32 $0x4F80;
	s17 =	simm.s32 $0x10D00  }
0x6: {  	s18 =	simm.s32 $0x1;
	s19 =	simm.s32 $0x2;
	s5 =	sand.u32 $0x1, s2  }
0x7: {  	s20 =	simm.s32 $0x3;
	s2 =	stileid.u32;
	s6 =	smul.u32 $0x13880, s5  }
0x8: {  	s21 =	simm.s32 $0x4;
	s22 =	simm.s32 $0xEC00;
	s7 =	smul.u32 $0x9E0, s2  }
0x9: {  	s23 =	simm.s32 $0xEC80;
	[smem:$0x7FF] =	sst s3;
	s30 =	smul.u32 $0x27800, s2  }
0xa: {  	_ =	strace $0x8000004A;
	s8 =	smul.u32 $0x13C00, s5;
	s5 =	ssub.s32 $0x2, s5  }
0xb: {  	s11 =	smul.u32 $0x9E00, s2;
	s10 =	sshrl.u32 s5, $0x1;
	s9 =	sadd.s32 s6, s4  }
0xc: {  	s7 =	sadd.s32 s7, s4;
	s6 =	sshrl.u32 s30, $0x2;
	s12 =	sadd.s32 s8, s4  }
0xd: {  	s10 =	ssub.s32 s5, s10;
	s5 =	sadd.s32 s11, s1;
	s25 =	sshrl.u32 s11, $0x3  }
0xe: {  	s11 =	simm.s32 $0x5;
	s31 =	sadd.s32 s6, s1;
	s4 =	sadd.s32 $0x1800, s7  }
0xf: {  	s9 =	sadd.s32 $0x15400, s9;
	s24 =	sadd.s32 $0x3C600, s12;
	s10 =	smax.u32 s10, $0x1  }
0x10: {  	s12 =	simm.s32 $0x12D00;
	s6 =	sadd.s32 $0x2780, s31;
	s7 =	sadd.s32 $0x4F00, s31  }
0x11: {  	v0 =	vimm.f32 $0.0e+00;
	s8 =	sadd.s32 $0x7680, s31;
	s24 =	sadd.s32 s25, s24;
	s25 =	simm.s32 $0x0  }
.LBB2_1:
0x12: {  	[tilespmem:s3], [sflag:$0x5] =	stream.linear.gather [hbm4b:s4+s3], $0x4F00, $0x38;
	[tilespmem:$0x1F280] =	vst v63  }
0x13: {  	_ =	swait.ge [sflag:s11], $0x4F00  }
0x14: {  	[sflag:s11] =	ssyncset.done $0x0  }
0x15: {  	s26 =	simm.s32 $0x0;
	[sflag:s11] =	ssyncadd.s32 $0xFFFFB100  }
0x16: {  	v1 =	vld [tilespmem:s26+$0x70]  }
0x17: {  	v2 =	vld [tilespmem:s26+$0x0];
	_ =	sdelay $0x1  }
0x18: {  	v3 =	vld [tilespmem:s26+$0x10]  }
0x19: {  	v6 =	vld [tilespmem:s26+$0x40]  }
0x1a: {  	v7 =	vshrl.u32 v1, $0xE  }
0x1b: {  	v4 =	vld [tilespmem:s26+$0x20];
	v9 =	vand.u32 $0x3FFF, v2;
	[tilespmem:s26+$0x9E70] =	vst v7  }
0x1c: {  	v2 =	vshrl.u32 v2, $0xE;
	[tilespmem:s26+$0x4F00] =	vst v9  }
0x1d: {  	v5 =	vld [tilespmem:s26+$0x30];
	v62 =	vand.u32 $0x3FFF, v3;
	[tilespmem:s26+$0x9E00] =	vst v2  }
0x1e: {  	v8 =	vld [tilespmem:s26+$0x50];
	v63 =	vand.u32 $0x3FFF, v6;
	[tilespmem:s26+$0x4F10] =	vst v62  }
0x1f: {  	v7 =	vld [tilespmem:s26+$0x60];
	v2 =	vshrl.u32 v3, $0xE;
	[tilespmem:s26+$0x4F40] =	vst v63  }
0x20: {  	v3 =	vand.u32 $0x3FFF, v4;
	[tilespmem:s26+$0x9E10] =	vst v2  }
0x21: {  	v2 =	vshrl.u32 v4, $0xE;
	[tilespmem:s26+$0x4F20] =	vst v3  }
0x22: {  	v1 =	vand.u32 $0x3FFF, v1;
	v3 =	vand.u32 $0x3FFF, v5;
	[tilespmem:s26+$0x9E20] =	vst v2  }
0x23: {  	v6 =	vshrl.u32 v6, $0xE;
	v4 =	vshrl.u32 v8, $0xE;
	v2 =	vshrl.u32 v5, $0xE;
	[tilespmem:s26+$0x4F30] =	vst v3  }
0x24: {  	s28 =	simm.s32 $0x80;
	s29 =	simm.s32 $0x400;
	v5 =	vand.u32 $0x3FFF, v8;
	[tilespmem:s26+$0x9E30] =	vst v2;
	v3 =	vand.u32 $0x3FFF, v7;
	v2 =	vshrl.u32 v7, $0xE  }
.LBB2_2:
0x25: {  	p0 =	sne.s32 s29, $0x13A00;
	v7 =	vld [tilespmem:s28+$0x70];
	[tilespmem:s26+$0x9E40] =	vst v6  }
0x26: {  	v6 =	vld [tilespmem:s28+$0x0];
	[tilespmem:s26+$0x4F50] =	vst v5  }
0x27: {  	v5 =	vld [tilespmem:s28+$0x10];
	[tilespmem:s26+$0x9E50] =	vst v4  }
0x28: {  	v4 =	vld [tilespmem:s28+$0x20];
	[tilespmem:s26+$0x4F60] =	vst v3  }
0x29: {  	v3 =	vld [tilespmem:s28+$0x30];
	[tilespmem:s26+$0x9E60] =	vst v2  }
0x2a: {  	v2 =	vld [tilespmem:s28+$0x40];
	v8 =	vshrl.u32 v7, $0xE;
	[tilespmem:s26+$0x4F70] =	vst v1;
	v1 =	vand.u32 $0x3FFF, v7;
	s26 =	smov.u32 s28  }
0x2b: {  	v7 =	vand.u32 $0x3FFF, v6;
	v6 =	vshrl.u32 v6, $0xE;
	v9 =	vld [tilespmem:s26+$0x50];
	[tilespmem:s26+$0x9E70] =	vst v8  }
0x2c: {  	[tilespmem:s26+$0x4F00] =	vst v7;
	v7 =	vand.u32 $0x3FFF, v5;
	v5 =	vshrl.u32 v5, $0xE;
	v8 =	vld [tilespmem:s26+$0x60]  }
0x2d: {  	[tilespmem:s26+$0x9E00] =	vst v6;
	v10 =	vand.u32 $0x3FFF, v4;
	v11 =	vshrl.u32 v4, $0xE  }
0x2e: {  	[tilespmem:s26+$0x4F10] =	vst v7;
	v7 =	vand.u32 $0x3FFF, v3;
	v12 =	vshrl.u32 v3, $0xE  }
0x2f: {  	[tilespmem:s26+$0x9E10] =	vst v5;
	v13 =	vand.u32 $0x3FFF, v2;
	v6 =	vshrl.u32 v2, $0xE  }
.Ltmp0:
0x30: {  	[tilespmem:s26+$0x4F20] =	vst v10;
	v5 =	vand.u32 $0x3FFF, v9;
	v4 =	vshrl.u32 v9, $0xE;
	(pc) =	sbr.rel @p0 .LBB2_2-.Ltmp0, $4  }
0x31: {  	[tilespmem:s26+$0x9E20] =	vst v11;
	v3 =	vand.u32 $0x3FFF, v8;
	v2 =	vshrl.u32 v8, $0xE  }
0x32: {  	[tilespmem:s26+$0x4F30] =	vst v7  }
0x33: {  	[tilespmem:s26+$0x9E30] =	vst v12  }
0x34: {  	s28 =	sshra.s32 s29, $0x2;
	s29 =	sadd.s32 $0x200, s29;
	[tilespmem:s26+$0x4F40] =	vst v13  }
0x35: {  	v7 =	vld [tilespmem:s28+$0x70];
	[tilespmem:s26+$0x9E40] =	vst v6  }
0x36: {  	v6 =	vld [tilespmem:s28+$0x0];
	[tilespmem:s26+$0x4F50] =	vst v5  }
0x37: {  	v5 =	vld [tilespmem:s28+$0x10];
	[tilespmem:s26+$0x9E50] =	vst v4  }
0x38: {  	v4 =	vld [tilespmem:s28+$0x20];
	[tilespmem:s26+$0x4F60] =	vst v3  }
0x39: {  	v3 =	vld [tilespmem:s28+$0x30];
	[tilespmem:s26+$0x9E60] =	vst v2  }
0x3a: {  	v2 =	vld [tilespmem:s28+$0x40];
	[tilespmem:s26+$0x4F70] =	vst v1;
	v1 =	vshrl.u32 v7, $0xE  }
0x3b: {  	v9 =	vand.u32 $0x3FFF, v6;
	[tilespmem:s28+$0x9E70] =	vst v1  }
0x3c: {  	v1 =	vshrl.u32 v6, $0xE;
	[tilespmem:s28+$0x4F00] =	vst v9  }
0x3d: {  	v61 =	vand.u32 $0x3FFF, v5;
	[tilespmem:s28+$0x9E00] =	vst v1  }
0x3e: {  	v1 =	vshrl.u32 v5, $0xE;
	[tilespmem:s28+$0x4F10] =	vst v61  }
0x3f: {  	v62 =	vand.u32 $0x3FFF, v4;
	[tilespmem:s28+$0x9E10] =	vst v1  }
0x40: {  	v8 =	vld [tilespmem:s28+$0x50];
	v1 =	vshrl.u32 v4, $0xE;
	[tilespmem:s28+$0x4F20] =	vst v62  }
0x41: {  	v63 =	vand.u32 $0x3FFF, v3;
	[tilespmem:s28+$0x9E20] =	vst v1  }
0x42: {  	v60 =	vld [tilespmem:s28+$0x60];
	v1 =	vshrl.u32 v3, $0xE;
	[tilespmem:s28+$0x4F30] =	vst v63  }
0x43: {  	v3 =	vand.u32 $0x3FFF, v2;
	[tilespmem:s28+$0x9E30] =	vst v1  }
0x44: {  	v1 =	vshrl.u32 v2, $0xE;
	[tilespmem:s28+$0x4F40] =	vst v3  }
0x45: {  	v2 =	vand.u32 $0x3FFF, v8;
	[tilespmem:s28+$0x9E40] =	vst v1  }
0x46: {  	v1 =	vshrl.u32 v8, $0xE;
	[tilespmem:s28+$0x4F50] =	vst v2  }
0x47: {  	v2 =	vand.u32 $0x3FFF, v60;
	[tilespmem:s28+$0x9E50] =	vst v1  }
0x48: {  	v1 =	vshrl.u32 v60, $0xE;
	[tilespmem:s28+$0x4F60] =	vst v2  }
0x49: {  	v2 =	vand.u32 $0x3FFF, v7;
	[tilespmem:s28+$0x9E60] =	vst v1  }
0x4a: {  	s26 =	simm.s32 $0x0;
	[tilespmem:s28+$0x4F70] =	vst v2;
	s28 =	simm.s32 $0x100  }
.LBB2_4:
0x4b: {  	p0 =	sne.s32 s28, $0x9D00;
	[tilespmem:s26+$0x12D30] =	vst v0;
	s29 =	smov.u32 s28;
	s28 =	sadd.s32 $0x100, s28  }
.Ltmp1:
0x4c: {  	[tilespmem:s26+$0x12D20] =	vst v0;
	(pc) =	sbr.rel @p0 .LBB2_4-.Ltmp1, $3  }
0x4d: {  	[tilespmem:s26+$0x12D00] =	vst v0  }
0x4e: {  	[tilespmem:s26+$0x12D10] =	vst v0;
	_ =	sdelay $0x1  }
0x4f: {  	s26 =	sshra.s32 s29, $0x2  }
0x50: {  	[tilespmem:s26+$0x12D30] =	vst v0  }
0x51: {  	[tilespmem:s26+$0x12D20] =	vst v0  }
0x52: {  	[tilespmem:s26+$0x12D00] =	vst v0  }
0x53: {  	[tilespmem:s26+$0x12D10] =	vst v0  }
0x54: {  	[spmem:s5] =	stream.linear.scatter [tilespmem:s12], [sflag:$0x5], $0x2780, $0x38;
	[tilespmem:$0x1F280] =	vst v63  }
0x55: {  	_ =	swait.ge [sflag:s11], $0x2780  }
0x56: {  	[sflag:s11] =	ssyncset.done $0x0  }
0x57: {  	[sflag:s11] =	ssyncadd.s32 $0xFFFFD880  }
0x58: {  	[spmem:s6] =	stream.linear.scatter [tilespmem:s12], [sflag:$0x5], $0x2780, $0x38;
	[tilespmem:$0x1F280] =	vst v63  }
0x59: {  	_ =	swait.ge [sflag:s11], $0x2780  }
0x5a: {  	[sflag:s11] =	ssyncset.done $0x0  }
0x5b: {  	[sflag:s11] =	ssyncadd.s32 $0xFFFFD880  }
0x5c: {  	[spmem:s7] =	stream.linear.scatter [tilespmem:s12], [sflag:$0x5], $0x2780, $0x38;
	[tilespmem:$0x1F280] =	vst v63  }
0x5d: {  	_ =	swait.ge [sflag:s11], $0x2780  }
0x5e: {  	[sflag:s11] =	ssyncset.done $0x0  }
0x5f: {  	[sflag:s11] =	ssyncadd.s32 $0xFFFFD880  }
0x60: {  	[spmem:s8] =	stream.linear.scatter [tilespmem:s12], [sflag:$0x5], $0x2780, $0x38;
	[tilespmem:$0x1F280] =	vst v63  }
0x61: {  	_ =	swait.ge [sflag:s11], $0x2780  }
0x62: {  	[sflag:s11] =	ssyncset.done $0x0  }
0x63: {  	[sflag:s11] =	ssyncadd.s32 $0xFFFFD880  }
0x64: {  	[bflag:$0x0] =	sbarrier.arrive $0xFFFF  }
0x65: {  	[tilespmem:s15], [sflag:$0x1] =	stream.indirect.gather [hbm4b:s9+s13], $0x40, s14, s13, $0xb8;
	[tilespmem:$0x1F280] =	vst v63  }
0x66: {  	_ = 	snop  }
0x67: {  	[tilespmem:s17], [sflag:$0x2] =	stream.indirect.gather [hbm4b:s9+s13], $0x40, s16, s13, $0xb8;
	[tilespmem:$0x1F280] =	vst v63  }
0x68: {  	_ =	swait.ge [sflag:s18], $0x2000  }
0x69: {  	[sflag:s18] =	ssyncset.done $0x0  }
0x6a: {  	s29 =	simm.s32 $0x9E00;
	[sflag:s18] =	ssyncadd.s32 $0xFFFFE000  }
0x6b: {  	[spmem:s1] =	stream.indirect.scatter.add.f32 [tilespmem:s15], [sflag:$0x3], $0x40, s29, s13, $0xb8;
	[tilespmem:$0x1F280] =	vst v63  }
0x6c: {  	_ =	swait.ge [sflag:s19], $0x2000  }
0x6d: {  	[sflag:s19] =	ssyncset.done $0x0  }
0x6e: {  	s30 =	simm.s32 $0x9E80;
	[sflag:s19] =	ssyncadd.s32 $0xFFFFE000  }
0x6f: {  	[spmem:s1] =	stream.indirect.scatter.add.f32 [tilespmem:s17], [sflag:$0x4], $0x40, s30, s13, $0xb8;
	[tilespmem:$0x1F280] =	vst v63  }
0x70: {  	_ =	swait.ge [sflag:s20], $0x2000  }
0x71: {  	[sflag:s20] =	ssyncset.done $0x0  }
0x72: {  	s31 =	simm.s32 $0x5000;
	[sflag:s20] =	ssyncadd.s32 $0xFFFFE000  }
0x73: {  	[tilespmem:s15], [sflag:$0x1] =	stream.indirect.gather [hbm4b:s9+s13], $0x40, s31, s13, $0xb8;
	[tilespmem:$0x1F280] =	vst v63  }
0x74: {  	_ =	swait.ge [sflag:s21], $0x2000  }
0x75: {  	[sflag:s21] =	ssyncset.done $0x0  }
0x76: {  	s26 =	simm.s32 $0x400;
	s28 =	simm.s32 $0x5080;
	[sflag:s21] =	ssyncadd.s32 $0xFFFFE000  }
.LBB2_6:
0x77: {  	[tilespmem:s17], [sflag:$0x2] =	stream.indirect.gather [hbm4b:s9+s13], $0x40, s28, s13, $0xb8;
	[tilespmem:$0x1F280] =	vst v63  }
0x78: {  	s28 =	smov.u32 s26  }
0x79: {  	p0 =	sne.s32 s26, $0x13400;
	s26 =	sadd.s32 $0x400, s26;
	_ =	swait.ge [sflag:s18], $0x2000  }
0x7a: {  	s28 =	sshra.s32 s28, $0x2;
	[sflag:s18] =	ssyncset.done $0x0  }
0x7b: {  	s29 =	sadd.s32 $0x9E00, s28;
	[sflag:s18] =	ssyncadd.s32 $0xFFFFE000  }
0x7c: {  	[spmem:s1] =	stream.indirect.scatter.add.f32 [tilespmem:s15], [sflag:$0x3], $0x40, s29, s13, $0xb8;
	[tilespmem:$0x1F280] =	vst v63  }
0x7d: {  	_ =	swait.ge [sflag:s19], $0x2000  }
0x7e: {  	[sflag:s19] =	ssyncset.done $0x0  }
0x7f: {  	s29 =	sadd.s32 $0x9E80, s28;
	[sflag:s19] =	ssyncadd.s32 $0xFFFFE000  }
0x80: {  	[spmem:s1] =	stream.indirect.scatter.add.f32 [tilespmem:s17], [sflag:$0x4], $0x40, s29, s13, $0xb8;
	[tilespmem:$0x1F280] =	vst v63  }
0x81: {  	_ =	swait.ge [sflag:s20], $0x2000  }
0x82: {  	[sflag:s20] =	ssyncset.done $0x0  }
.Ltmp2:
0x83: {  	s29 =	sadd.s32 $0x5000, s28;
	[sflag:s20] =	ssyncadd.s32 $0xFFFFE000;
	(pc) =	sbr.rel @p0 .LBB2_6-.Ltmp2, $4  }
0x84: {  	[tilespmem:s15], [sflag:$0x1] =	stream.indirect.gather [hbm4b:s9+s13], $0x40, s29, s13, $0xb8;
	[tilespmem:$0x1F280] =	vst v63  }
0x85: {  	_ =	swait.ge [sflag:s21], $0x2000  }
0x86: {  	[sflag:s21] =	ssyncset.done $0x0  }
0x87: {  	s28 =	sadd.s32 $0x5080, s28;
	[sflag:s21] =	ssyncadd.s32 $0xFFFFE000  }
0x88: {  	[tilespmem:s17], [sflag:$0x2] =	stream.indirect.gather [hbm4b:s9+s13], $0x40, s28, s13, $0xb8;
	[tilespmem:$0x1F280] =	vst v63  }
0x89: {  	_ =	swait.ge [sflag:s18], $0x2000  }
0x8a: {  	[sflag:s18] =	ssyncset.done $0x0  }
0x8b: {  	[sflag:s18] =	ssyncadd.s32 $0xFFFFE000  }
0x8c: {  	[spmem:s1] =	stream.indirect.scatter.add.f32 [tilespmem:s15], [sflag:$0x3], $0x40, s22, s13, $0xb8;
	[tilespmem:$0x1F280] =	vst v63  }
0x8d: {  	_ =	swait.ge [sflag:s19], $0x2000  }
0x8e: {  	[sflag:s19] =	ssyncset.done $0x0  }
0x8f: {  	[sflag:s19] =	ssyncadd.s32 $0xFFFFE000  }
0x90: {  	[spmem:s1] =	stream.indirect.scatter.add.f32 [tilespmem:s17], [sflag:$0x4], $0x40, s23, s13, $0xb8;
	[tilespmem:$0x1F280] =	vst v63  }
0x91: {  	_ =	swait.ge [sflag:s20], $0x2000  }
0x92: {  	[sflag:s20] =	ssyncset.done $0x0  }
0x93: {  	[sflag:s20] =	ssyncadd.s32 $0xFFFFE000  }
0x94: {  	_ =	swait.ge [sflag:s21], $0x2000  }
0x95: {  	s26 =	sshll.u32 s2, $0x6;
	s25 =	sadd.s32 $0x1, s25;
	[sflag:s21] =	ssyncset.done $0x0  }
0x96: {  	s31 =	sshrl.u32 s5, $0x3;
	p0 =	sne.s32 s25, s10;
	[sflag:s21] =	ssyncadd.s32 $0xFFFFE000  }
.Ltmp3:
0x97: {  	s26 =	sor.u32 $0x1C05, s26;
	[bflag:$0x0] =	sbarrier.arrive $0xFFFF;
	(pc) =	sbr.rel @p0 .LBB2_1-.Ltmp3, $4  }
0x98: {  	[hbm:s24], [sflag:s26] =	dma.local [spmem:s31], $0x13C0  }
0x99: {  	_ =	swait.ge [sflag:s11], $0x13C0  }
0x9a: {  	[sflag:s11] =	ssyncset.done $0x0  }
0x9b: {  	[sflag:s11] =	ssyncadd.s32 $0xFFFFEC40  }
0x9c: {  	_ =	sfence.sel $0x180000  }
0x9d: {  	[bflag:$0x0] =	sbarrier.arrive $0xFFFF  }
0x9e: {  	p0 =	sne.s32 s2, $0x0;
	_ =	strace $0x9000004A  }
0x9f: {  	s0 =	sadd.s32 @!p0 $0x100000, s0;
	[bflag:$0x2] =	sbarrier.arrive $0xFFFF  }
0xa0: {  	[sflag:s0] =	ssyncadd.tile.s32 @!p0 $0x1;
	_ =	shalt  }
.Lfunc_end2:
_tile_overlayer_lowered:
.L_overlay_start_2:
0xa1: {  	(tag) =	ssettag $0x2  }
0xa2: {  	s0 =	rddreg [dreg:$0x0];
	s2 =	stileid.u32  }
0xa3: {  	s1 =	rddreg [dreg:$0x1];
	p0 =	sne.s32 s2, $0x0  }
0xa4: {  	s3 =	rddreg [dreg:$0x2];
	[bflag:$0x3] =	sbarrier.arrive $0xFFFF;
	s2 =	simm.s32 @!p0 $0x1C05  }
0xa5: {  	[timem:s3], [sflag:s2] =	dma.local @!p0 [hbm:s0], s1  }
0xa6: {  	s0 =	simm.s32 @!p0 $0x5  }
0xa7: {  	_ =	swait.ge @!p0 [sflag:s0], s1  }
0xa8: {  	s1 =	ssub.s32 @!p0 $0x0, s1;
	[sflag:s0] =	ssyncset.done @!p0 $0x0  }
0xa9: {  	[sflag:s0] =	ssyncadd.s32 @!p0 s1  }
0xaa: {  	[bflag:$0x3] =	sbarrier.arrive $0xFFFF  }
0xab: {  	_ =	shalt  }

</sc_bundles>
